<compile_context>
chip_gen: v7x
topology: tpu7x:2x2x1
jax: 0.10.2.dev20260603
libtpu: 0.0.44.dev20260713+nightly
codegen_flags: <defaults>
</compile_context>

<pallas_src>
import functools

import jax
import jax.numpy as jnp
from jax import lax
from jax.experimental import pallas as pl
from jax.experimental.pallas import tpu as pltpu
from jax.experimental.pallas import tpu_sc as plsc

TM = 256
TK = 512
PAD = 128
TOPK = 3
CH = 128
CB = 16


SLOT = 8


def _dist_topk_body(x_ref, w_ref, d_ref, vals_ref, idx_ref, cnt_ref,
                    cv3, ci3, drow, ccnt):
    i = pl.program_id(0)
    j = pl.program_id(1)
    ni = pl.num_programs(0)
    nj = pl.num_programs(1)
    x = x_ref[...]
    w = w_ref[pl.ds(j * TK, TK), :]
    zn = jnp.sum(x * x, axis=1, keepdims=True)
    en = jnp.sum(w * w, axis=1)[None, :]
    acc = lax.dot_general(x, w, (((1,), (1,)), ((), ())),
                          preferred_element_type=jnp.float32)
    d = zn + en - 2.0 * acc
    d_ref[...] = d
    drow[j] = d

    colid = lax.broadcasted_iota(jnp.int32, (TM, TK), 1) + j * TK
    ms, ps = [], []
    dd = d
    for t in range(TOPK):
        m = jnp.min(dd, axis=1, keepdims=True)
        p = jnp.min(jnp.where(dd == m, colid, jnp.int32(2**30)),
                    axis=1, keepdims=True)
        ms.append(m)
        ps.append(p)
        if t < TOPK - 1:
            dd = jnp.where(colid == p, jnp.inf, dd)
    li = lax.broadcasted_iota(jnp.int32, (TM, SLOT), 1)
    cv3[j] = jnp.where(li == 0, ms[0],
                       jnp.where(li == 1, ms[1],
                                 jnp.where(li == 2, ms[2], jnp.inf)))
    ci3[j] = jnp.where(li == 0, ps[0],
                       jnp.where(li == 1, ps[1],
                                 jnp.where(li == 2, ps[2], 0)))

    @pl.when(j == nj - 1)
    def _out():
        cv = jnp.concatenate([cv3[t] for t in range(NJ)], axis=1)
        ci = jnp.concatenate([ci3[t] for t in range(NJ)], axis=1)
        ms2, ps2 = [], []
        for t in range(TOPK):
            m = jnp.min(cv, axis=1, keepdims=True)
            p = jnp.min(jnp.where(cv == m, ci, jnp.int32(2**30)),
                        axis=1, keepdims=True)
            ms2.append(m)
            ps2.append(p)
            if t < TOPK - 1:
                cv = jnp.where(ci == p, jnp.inf, cv)
        lo = lax.broadcasted_iota(jnp.int32, (TM, PAD), 1)
        vals_ref[...] = jnp.where(
            lo == 0, ms2[0],
            jnp.where(lo == 1, ms2[1],
                      jnp.where(lo == 2, ms2[2], jnp.inf)))
        idx_ref[...] = jnp.where(
            lo == 0, ps2[0],
            jnp.where(lo == 1, ps2[1],
                      jnp.where(lo == 2, ps2[2], 0)))

        thr = ms2[2]
        ones8 = jnp.ones((8, TM), jnp.float32)
        for t in range(NJ):
            indf = jnp.where(drow[t] <= thr, 1.0, 0.0)
            pc8 = lax.dot_general(ones8, indf, (((1,), (0,)), ((), ())),
                                  preferred_element_type=jnp.float32)
            ccnt[t] = jnp.where(i == 0, pc8, ccnt[t] + pc8)

        @pl.when(i == ni - 1)
        def _cnt_out():
            for t in range(NJ):
                cnt_ref[t] = ccnt[t]


NJ = 16


def _dist_topk(flat, w):
    n, c = flat.shape
    k = w.shape[0]
    nj = k // TK
    return pl.pallas_call(
        _dist_topk_body,
        grid=(n // TM, nj),
        in_specs=[pl.BlockSpec((TM, c), lambda i, j: (i, 0)),
                  pl.BlockSpec((k, c), lambda i, j: (0, 0))],
        out_specs=[pl.BlockSpec((TM, TK), lambda i, j: (i, j)),
                   pl.BlockSpec((TM, PAD), lambda i, j: (i, 0)),
                   pl.BlockSpec((TM, PAD), lambda i, j: (i, 0)),
                   pl.BlockSpec((nj, 8, TK), lambda i, j: (0, 0, 0))],
        out_shape=[jax.ShapeDtypeStruct((n, k), jnp.float32),
                   jax.ShapeDtypeStruct((n, PAD), jnp.float32),
                   jax.ShapeDtypeStruct((n, PAD), jnp.int32),
                   jax.ShapeDtypeStruct((nj, 8, TK), jnp.float32)],
        scratch_shapes=[pltpu.VMEM((nj, TM, SLOT), jnp.float32),
                        pltpu.VMEM((nj, TM, SLOT), jnp.int32),
                        pltpu.VMEM((nj, TM, TK), jnp.float32),
                        pltpu.VMEM((nj, 8, TK), jnp.float32)],
        compiler_params=pltpu.CompilerParams(
            dimension_semantics=("arbitrary", "arbitrary")),
    )(flat, w)


def _make_sc_gather(k, c, nt):
    info = plsc.get_sparse_core_info()
    ncores, nsub = info.num_cores, info.num_subcores
    nw = ncores * nsub
    bpw = nt // nw
    nch = bpw // CH
    mesh = plsc.VectorSubcoreMesh(core_axis_name="c", subcore_axis_name="s")

    @functools.partial(
        pl.kernel, mesh=mesh,
        out_type=[jax.ShapeDtypeStruct((nt, c), jnp.float32)],
        scratch_types=[
            pltpu.VMEM((nch, CH), jnp.int32),
            pltpu.VMEM((CH, c), jnp.float32),
            pltpu.VMEM((CH, c), jnp.float32),
            pltpu.SemaphoreType.DMA,
            pltpu.SemaphoreType.DMA,
        ],
    )
    def sc_body(table_hbm, idx_hbm, out_hbm,
                idx2d, rows_a, rows_b, sem_a, sem_b):
        cid = lax.axis_index("c")
        sid = lax.axis_index("s")
        wid = sid * ncores + cid
        pltpu.sync_copy(idx_hbm.at[wid], idx2d)
        cur = pltpu.async_copy(table_hbm.at[idx2d.at[0]], rows_a, sem_a)
        for ch in range(nch):
            nxt = None
            if ch + 1 < nch:
                nxt = pltpu.async_copy(table_hbm.at[idx2d.at[ch + 1]],
                                       (rows_a, rows_b)[(ch + 1) % 2],
                                       (sem_a, sem_b)[(ch + 1) % 2])
            cur.wait()
            pltpu.sync_copy((rows_a, rows_b)[ch % 2],
                            out_hbm.at[pl.ds(wid * bpw + ch * CH, CH)])
            cur = nxt

    return sc_body, nw, nch


def _finalize_body(cnt_ref, vals_ref, loss_ref, perp_ref, avg_ref):
    n, pad = vals_ref.shape
    counts = cnt_ref[...][:, 0, :]
    avg = counts * (1.0 / n)
    avg_ref[...] = avg
    ent = jnp.sum(avg * jnp.log(avg + 1e-10))
    perp_ref[...] = jnp.exp(-ent).reshape(1, 1)
    v = vals_ref[...]
    li = lax.broadcasted_iota(jnp.int32, (n, pad), 1)
    s = jnp.sum(jnp.where(li < TOPK, v, 0.0))
    c = 256
    loss_ref[...] = (0.25 * s / (n * TOPK * c)).reshape(1, 1)


def _finalize(cnts, vals):
    nj, _, tk = cnts.shape
    return pl.pallas_call(
        _finalize_body,
        out_shape=[jax.ShapeDtypeStruct((1, 1), jnp.float32),
                   jax.ShapeDtypeStruct((1, 1), jnp.float32),
                   jax.ShapeDtypeStruct((nj, tk), jnp.float32)],
    )(cnts, vals)


def kernel(inputs, embedding_weight):
    b, t, c = inputs.shape
    k = embedding_weight.shape[0]
    n = b * t
    nt = n * TOPK
    flat = inputs.reshape(n, c)
    distances, vals8, idx8, cnts = _dist_topk(flat, embedding_weight)
    idx_top = idx8[:, :TOPK]
    sc, nw, nch = _make_sc_gather(k, c, nt)
    idx3d = idx_top.reshape(nw, nch, CH)
    quant_flat = sc(embedding_weight, idx3d)[0]
    loss, perp, avg = _finalize(cnts, vals8)
    return (loss.reshape(()),
            quant_flat.reshape(b, t, TOPK, c),
            perp.reshape(()),
            avg.reshape(k),
            idx_top.reshape(b, t, TOPK),
            distances.reshape(b, t, k))

# --- scband reference (transcript-rebuilt; emitter-appended) ---
"""Pipeline reference for scband-feature-quantizer-ema-30932354466466 (READ-ONLY COPY).

The authoritative reference and input builder live on the scoring server;
editing this copy changes nothing except your own understanding.
"""

import jax, jax.numpy as jnp
import numpy as np


def setup_inputs(seed: int = 0) -> dict:
    key = jax.random.key(seed)
    k1, k2 = jax.random.split(key)
    inputs = jax.random.normal(k1, (8, 1024, 256), dtype=jnp.float32)
    embedding_weight = jax.random.normal(k2, (8192, 256), dtype=jnp.float32)
    return {"inputs": inputs, "embedding_weight": embedding_weight}


def reference(inputs, embedding_weight):
    B, T, C = inputs.shape
    K = embedding_weight.shape[0]
    topk = 3
    commitment_cost = 0.25
    flat = inputs.reshape(-1, C)
    distances = (jnp.sum(flat ** 2, axis=1, keepdims=True)
                 + jnp.sum(embedding_weight ** 2, axis=1)
                 - 2.0 * (flat @ embedding_weight.T))
    # torch.topk(..., largest=False) == top_k of negated distances
    _, encoding_indices = jax.lax.top_k(-distances, topk)
    quantized = jnp.take(embedding_weight, encoding_indices, axis=0)  # [N, k, C]
    quantized = quantized.reshape(B, T, topk, C)
    inputs_rep = jnp.broadcast_to(inputs[:, :, None, :], (B, T, topk, C))
    e_latent_loss = jnp.mean((jax.lax.stop_gradient(quantized) - inputs_rep) ** 2)
    loss = commitment_cost * e_latent_loss
    quantized_st = inputs_rep + jax.lax.stop_gradient(quantized - inputs_rep)
    # top-k indices within a row are distinct, so one-hot scatter sum == bincount
    counts = jnp.bincount(encoding_indices.reshape(-1), length=K).astype(jnp.float32)
    avg_probs = counts / flat.shape[0]
    perplexity = jnp.exp(-jnp.sum(avg_probs * jnp.log(avg_probs + 1e-10)))
    encoding_indices_out = encoding_indices.reshape(B, T, topk)
    distances_out = distances.reshape(B, T, K)
    return (loss, quantized_st, perplexity, avg_probs, encoding_indices_out, distances_out)

if __name__ == "__main__":
    import jax
    _d = setup_inputs()
    print(jax.jit(kernel)(*tuple(_d.values())))

</pallas_src>

<mosaic_0001>
#map = affine_map<(d0, d1) -> (0, 0)>
#map1 = affine_map<(d0, d1) -> (0, 0, 0)>
module attributes {stable_mosaic.version = 14 : i64} {
  func.func @sc_body(%arg0: i32, %arg1: i32, %arg2: memref<8192x256xf32, #tpu.memory_space<hbm>>, %arg3: memref<32x6x128xi32, #tpu.memory_space<hbm>>, %arg4: memref<24576x256xf32, #tpu.memory_space<hbm>>, %arg5: memref<6x128xi32, #tpu.memory_space<vmem>>, %arg6: memref<128x256xf32, #tpu.memory_space<vmem>>, %arg7: memref<128x256xf32, #tpu.memory_space<vmem>>, %arg8: memref<!tpu.dma_semaphore, #tpu.memory_space<semaphore_mem>>, %arg9: memref<!tpu.dma_semaphore, #tpu.memory_space<semaphore_mem>>) attributes {dimension_semantics = [#tpu.dimension_semantics<core_parallel>, #tpu.dimension_semantics<subcore_parallel>], iteration_bounds = array<i64: 2, 16>, scalar_prefetch = 0 : i64, scratch_operands = 5 : i64, tpu.core_type = #tpu.core_type<sc_vector_subcore>, window_params = [{transform_indices = #map}, {transform_indices = #map1}, {transform_indices = #map}]} {
    %mul3A = arith.constant 2 : i32
    %mul3A_0 = arith.muli %arg1, %mul3A : i32
    %add3A = arith.addi %mul3A_0, %arg0 : i32
    "tpu.region"() ({
      %run_scoped3A = tpu.sem_alloc : memref<!tpu.dma_semaphore, #tpu.memory_space<semaphore_mem>>
      %dma_start3A_107 = arith.constant 0 : i32
      %dma_start3A_108 = arith.constant 0 : i32
      %dma_start3A_109 = tpu.memref_slice %arg3[%add3A, %dma_start3A_107, %dma_start3A_108] : memref<32x6x128xi32, #tpu.memory_space<hbm>> -> memref<1x6x128xi32, #tpu.memory_space<hbm>>
      %dma_start3A_110 = tpu.memref_squeeze %dma_start3A_109 : memref<1x6x128xi32, #tpu.memory_space<hbm>> -> memref<6x128xi32, #tpu.memory_space<hbm>>
      %dma_start3A_111 = arith.constant 0 : i32
      %dma_start3A_112 = arith.constant 0 : i32
      %dma_start3A_113 = tpu.memref_slice %arg3[%add3A, %dma_start3A_111, %dma_start3A_112] : memref<32x6x128xi32, #tpu.memory_space<hbm>> -> memref<1x6x128xi32, #tpu.memory_space<hbm>>
      %dma_start3A_114 = tpu.memref_squeeze %dma_start3A_113 : memref<1x6x128xi32, #tpu.memory_space<hbm>> -> memref<6x128xi32, #tpu.memory_space<hbm>>
      tpu.enqueue_dma source(%dma_start3A_114 : memref<6x128xi32, #tpu.memory_space<hbm>>) target(%arg5 : memref<6x128xi32, #tpu.memory_space<vmem>>) target_semaphore(%run_scoped3A : memref<!tpu.dma_semaphore, #tpu.memory_space<semaphore_mem>>)
      %dma_wait3A_115 = arith.constant 0 : i32
      %dma_wait3A_116 = arith.constant 0 : i32
      %dma_wait3A_117 = tpu.memref_slice %arg3[%add3A, %dma_wait3A_115, %dma_wait3A_116] : memref<32x6x128xi32, #tpu.memory_space<hbm>> -> memref<1x6x128xi32, #tpu.memory_space<hbm>>
      %dma_wait3A_118 = tpu.memref_squeeze %dma_wait3A_117 : memref<1x6x128xi32, #tpu.memory_space<hbm>> -> memref<6x128xi32, #tpu.memory_space<hbm>>
      %dma_wait3A_119 = arith.constant 0 : i32
      %dma_wait3A_120 = arith.constant 0 : i32
      %dma_wait3A_121 = tpu.memref_slice %arg3[%add3A, %dma_wait3A_119, %dma_wait3A_120] : memref<32x6x128xi32, #tpu.memory_space<hbm>> -> memref<1x6x128xi32, #tpu.memory_space<hbm>>
      %dma_wait3A_122 = tpu.memref_squeeze %dma_wait3A_121 : memref<1x6x128xi32, #tpu.memory_space<hbm>> -> memref<6x128xi32, #tpu.memory_space<hbm>>
      tpu.wait_dma2 semaphore(%run_scoped3A : memref<!tpu.dma_semaphore, #tpu.memory_space<semaphore_mem>>) src(%dma_wait3A_122 : memref<6x128xi32, #tpu.memory_space<hbm>>) dst(%arg5 : memref<6x128xi32, #tpu.memory_space<vmem>>)
      tpu.yield
    }) : () -> ()
    %dma_start3A = arith.constant 0 : i32
    %dma_start3A_1 = arith.constant 0 : i32
    %dma_start3A_2 = tpu.memref_slice %arg5[%dma_start3A, %dma_start3A_1] : memref<6x128xi32, #tpu.memory_space<vmem>> -> memref<1x128xi32, #tpu.memory_space<vmem>>
    %dma_start3A_3 = tpu.memref_squeeze %dma_start3A_2 : memref<1x128xi32, #tpu.memory_space<vmem>> -> memref<128xi32, #tpu.memory_space<vmem>>
    %dma_start3A_4 = arith.constant 0 : i32
    %dma_start3A_5 = arith.constant 0 : i32
    %dma_start3A_6 = tpu.memref_slice %arg2[%dma_start3A_4, %dma_start3A_5] : memref<8192x256xf32, #tpu.memory_space<hbm>> -> memref<8192x256xf32, #tpu.memory_space<hbm>>
    tpu.enqueue_indirect_dma source(%dma_start3A_6 : memref<8192x256xf32, #tpu.memory_space<hbm>>) target(%arg6 : memref<128x256xf32, #tpu.memory_space<vmem>>) offsets(%dma_start3A_3 : memref<128xi32, #tpu.memory_space<vmem>>) semaphore(%arg8 : memref<!tpu.dma_semaphore, #tpu.memory_space<semaphore_mem>>)
    %dma_start3A_7 = arith.constant 1 : i32
    %dma_start3A_8 = arith.constant 0 : i32
    %dma_start3A_9 = tpu.memref_slice %arg5[%dma_start3A_7, %dma_start3A_8] : memref<6x128xi32, #tpu.memory_space<vmem>> -> memref<1x128xi32, #tpu.memory_space<vmem>>
    %dma_start3A_10 = tpu.memref_squeeze %dma_start3A_9 : memref<1x128xi32, #tpu.memory_space<vmem>> -> memref<128xi32, #tpu.memory_space<vmem>>
    %dma_start3A_11 = arith.constant 0 : i32
    %dma_start3A_12 = arith.constant 0 : i32
    %dma_start3A_13 = tpu.memref_slice %arg2[%dma_start3A_11, %dma_start3A_12] : memref<8192x256xf32, #tpu.memory_space<hbm>> -> memref<8192x256xf32, #tpu.memory_space<hbm>>
    tpu.enqueue_indirect_dma source(%dma_start3A_13 : memref<8192x256xf32, #tpu.memory_space<hbm>>) target(%arg7 : memref<128x256xf32, #tpu.memory_space<vmem>>) offsets(%dma_start3A_10 : memref<128xi32, #tpu.memory_space<vmem>>) semaphore(%arg9 : memref<!tpu.dma_semaphore, #tpu.memory_space<semaphore_mem>>)
    %dma_wait3A = arith.constant 0 : i32
    %dma_wait3A_14 = arith.constant 0 : i32
    %dma_wait3A_15 = tpu.memref_slice %arg5[%dma_wait3A, %dma_wait3A_14] : memref<6x128xi32, #tpu.memory_space<vmem>> -> memref<1x128xi32, #tpu.memory_space<vmem>>
    %dma_wait3A_16 = tpu.memref_squeeze %dma_wait3A_15 : memref<1x128xi32, #tpu.memory_space<vmem>> -> memref<128xi32, #tpu.memory_space<vmem>>
    %dma_wait3A_17 = arith.constant 0 : i32
    %dma_wait3A_18 = arith.constant 0 : i32
    %dma_wait3A_19 = tpu.memref_slice %arg2[%dma_wait3A_17, %dma_wait3A_18] : memref<8192x256xf32, #tpu.memory_space<hbm>> -> memref<8192x256xf32, #tpu.memory_space<hbm>>
    tpu.wait_indirect_dma semaphore(%arg8 : memref<!tpu.dma_semaphore, #tpu.memory_space<semaphore_mem>>) src(%dma_wait3A_19 : memref<8192x256xf32, #tpu.memory_space<hbm>>) dst(%arg6 : memref<128x256xf32, #tpu.memory_space<vmem>>)
    %mul3A_20 = arith.constant 768 : i32
    %mul3A_21 = arith.muli %add3A, %mul3A_20 : i32
    %add3A_22 = arith.constant 0 : i32
    %add3A_23 = arith.addi %mul3A_21, %add3A_22 : i32
    "tpu.region"() ({
      %run_scoped3A = tpu.sem_alloc : memref<!tpu.dma_semaphore, #tpu.memory_space<semaphore_mem>>
      %dma_start3A_107 = arith.constant 0 : i32
      %dma_start3A_108 = tpu.memref_slice %arg4[%add3A_23, %dma_start3A_107] : memref<24576x256xf32, #tpu.memory_space<hbm>> -> memref<128x256xf32, #tpu.memory_space<hbm>>
      %dma_start3A_109 = arith.constant 0 : i32
      %dma_start3A_110 = tpu.memref_slice %arg4[%add3A_23, %dma_start3A_109] : memref<24576x256xf32, #tpu.memory_space<hbm>> -> memref<128x256xf32, #tpu.memory_space<hbm>>
      tpu.enqueue_dma source(%arg6 : memref<128x256xf32, #tpu.memory_space<vmem>>) target(%dma_start3A_110 : memref<128x256xf32, #tpu.memory_space<hbm>>) target_semaphore(%run_scoped3A : memref<!tpu.dma_semaphore, #tpu.memory_space<semaphore_mem>>)
      %dma_wait3A_111 = arith.constant 0 : i32
      %dma_wait3A_112 = tpu.memref_slice %arg4[%add3A_23, %dma_wait3A_111] : memref<24576x256xf32, #tpu.memory_space<hbm>> -> memref<128x256xf32, #tpu.memory_space<hbm>>
      %dma_wait3A_113 = arith.constant 0 : i32
      %dma_wait3A_114 = tpu.memref_slice %arg4[%add3A_23, %dma_wait3A_113] : memref<24576x256xf32, #tpu.memory_space<hbm>> -> memref<128x256xf32, #tpu.memory_space<hbm>>
      tpu.wait_dma2 semaphore(%run_scoped3A : memref<!tpu.dma_semaphore, #tpu.memory_space<semaphore_mem>>) src(%arg6 : memref<128x256xf32, #tpu.memory_space<vmem>>) dst(%dma_wait3A_114 : memref<128x256xf32, #tpu.memory_space<hbm>>)
      tpu.yield
    }) : () -> ()
    %dma_start3A_24 = arith.constant 2 : i32
    %dma_start3A_25 = arith.constant 0 : i32
    %dma_start3A_26 = tpu.memref_slice %arg5[%dma_start3A_24, %dma_start3A_25] : memref<6x128xi32, #tpu.memory_space<vmem>> -> memref<1x128xi32, #tpu.memory_space<vmem>>
    %dma_start3A_27 = tpu.memref_squeeze %dma_start3A_26 : memref<1x128xi32, #tpu.memory_space<vmem>> -> memref<128xi32, #tpu.memory_space<vmem>>
    %dma_start3A_28 = arith.constant 0 : i32
    %dma_start3A_29 = arith.constant 0 : i32
    %dma_start3A_30 = tpu.memref_slice %arg2[%dma_start3A_28, %dma_start3A_29] : memref<8192x256xf32, #tpu.memory_space<hbm>> -> memref<8192x256xf32, #tpu.memory_space<hbm>>
    tpu.enqueue_indirect_dma source(%dma_start3A_30 : memref<8192x256xf32, #tpu.memory_space<hbm>>) target(%arg6 : memref<128x256xf32, #tpu.memory_space<vmem>>) offsets(%dma_start3A_27 : memref<128xi32, #tpu.memory_space<vmem>>) semaphore(%arg8 : memref<!tpu.dma_semaphore, #tpu.memory_space<semaphore_mem>>)
    %dma_wait3A_31 = arith.constant 1 : i32
    %dma_wait3A_32 = arith.constant 0 : i32
    %dma_wait3A_33 = tpu.memref_slice %arg5[%dma_wait3A_31, %dma_wait3A_32] : memref<6x128xi32, #tpu.memory_space<vmem>> -> memref<1x128xi32, #tpu.memory_space<vmem>>
    %dma_wait3A_34 = tpu.memref_squeeze %dma_wait3A_33 : memref<1x128xi32, #tpu.memory_space<vmem>> -> memref<128xi32, #tpu.memory_space<vmem>>
    %dma_wait3A_35 = arith.constant 0 : i32
    %dma_wait3A_36 = arith.constant 0 : i32
    %dma_wait3A_37 = tpu.memref_slice %arg2[%dma_wait3A_35, %dma_wait3A_36] : memref<8192x256xf32, #tpu.memory_space<hbm>> -> memref<8192x256xf32, #tpu.memory_space<hbm>>
    tpu.wait_indirect_dma semaphore(%arg9 : memref<!tpu.dma_semaphore, #tpu.memory_space<semaphore_mem>>) src(%dma_wait3A_37 : memref<8192x256xf32, #tpu.memory_space<hbm>>) dst(%arg7 : memref<128x256xf32, #tpu.memory_space<vmem>>)
    %mul3A_38 = arith.constant 768 : i32
    %mul3A_39 = arith.muli %add3A, %mul3A_38 : i32
    %add3A_40 = arith.constant 128 : i32
    %add3A_41 = arith.addi %mul3A_39, %add3A_40 : i32
    "tpu.region"() ({
      %run_scoped3A = tpu.sem_alloc : memref<!tpu.dma_semaphore, #tpu.memory_space<semaphore_mem>>
      %dma_start3A_107 = arith.constant 0 : i32
      %dma_start3A_108 = tpu.memref_slice %arg4[%add3A_41, %dma_start3A_107] : memref<24576x256xf32, #tpu.memory_space<hbm>> -> memref<128x256xf32, #tpu.memory_space<hbm>>
      %dma_start3A_109 = arith.constant 0 : i32
      %dma_start3A_110 = tpu.memref_slice %arg4[%add3A_41, %dma_start3A_109] : memref<24576x256xf32, #tpu.memory_space<hbm>> -> memref<128x256xf32, #tpu.memory_space<hbm>>
      tpu.enqueue_dma source(%arg7 : memref<128x256xf32, #tpu.memory_space<vmem>>) target(%dma_start3A_110 : memref<128x256xf32, #tpu.memory_space<hbm>>) target_semaphore(%run_scoped3A : memref<!tpu.dma_semaphore, #tpu.memory_space<semaphore_mem>>)
      %dma_wait3A_111 = arith.constant 0 : i32
      %dma_wait3A_112 = tpu.memref_slice %arg4[%add3A_41, %dma_wait3A_111] : memref<24576x256xf32, #tpu.memory_space<hbm>> -> memref<128x256xf32, #tpu.memory_space<hbm>>
      %dma_wait3A_113 = arith.constant 0 : i32
      %dma_wait3A_114 = tpu.memref_slice %arg4[%add3A_41, %dma_wait3A_113] : memref<24576x256xf32, #tpu.memory_space<hbm>> -> memref<128x256xf32, #tpu.memory_space<hbm>>
      tpu.wait_dma2 semaphore(%run_scoped3A : memref<!tpu.dma_semaphore, #tpu.memory_space<semaphore_mem>>) src(%arg7 : memref<128x256xf32, #tpu.memory_space<vmem>>) dst(%dma_wait3A_114 : memref<128x256xf32, #tpu.memory_space<hbm>>)
      tpu.yield
    }) : () -> ()
    %dma_start3A_42 = arith.constant 3 : i32
    %dma_start3A_43 = arith.constant 0 : i32
    %dma_start3A_44 = tpu.memref_slice %arg5[%dma_start3A_42, %dma_start3A_43] : memref<6x128xi32, #tpu.memory_space<vmem>> -> memref<1x128xi32, #tpu.memory_space<vmem>>
    %dma_start3A_45 = tpu.memref_squeeze %dma_start3A_44 : memref<1x128xi32, #tpu.memory_space<vmem>> -> memref<128xi32, #tpu.memory_space<vmem>>
    %dma_start3A_46 = arith.constant 0 : i32
    %dma_start3A_47 = arith.constant 0 : i32
    %dma_start3A_48 = tpu.memref_slice %arg2[%dma_start3A_46, %dma_start3A_47] : memref<8192x256xf32, #tpu.memory_space<hbm>> -> memref<8192x256xf32, #tpu.memory_space<hbm>>
    tpu.enqueue_indirect_dma source(%dma_start3A_48 : memref<8192x256xf32, #tpu.memory_space<hbm>>) target(%arg7 : memref<128x256xf32, #tpu.memory_space<vmem>>) offsets(%dma_start3A_45 : memref<128xi32, #tpu.memory_space<vmem>>) semaphore(%arg9 : memref<!tpu.dma_semaphore, #tpu.memory_space<semaphore_mem>>)
    %dma_wait3A_49 = arith.constant 2 : i32
    %dma_wait3A_50 = arith.constant 0 : i32
    %dma_wait3A_51 = tpu.memref_slice %arg5[%dma_wait3A_49, %dma_wait3A_50] : memref<6x128xi32, #tpu.memory_space<vmem>> -> memref<1x128xi32, #tpu.memory_space<vmem>>
    %dma_wait3A_52 = tpu.memref_squeeze %dma_wait3A_51 : memref<1x128xi32, #tpu.memory_space<vmem>> -> memref<128xi32, #tpu.memory_space<vmem>>
    %dma_wait3A_53 = arith.constant 0 : i32
    %dma_wait3A_54 = arith.constant 0 : i32
    %dma_wait3A_55 = tpu.memref_slice %arg2[%dma_wait3A_53, %dma_wait3A_54] : memref<8192x256xf32, #tpu.memory_space<hbm>> -> memref<8192x256xf32, #tpu.memory_space<hbm>>
    tpu.wait_indirect_dma semaphore(%arg8 : memref<!tpu.dma_semaphore, #tpu.memory_space<semaphore_mem>>) src(%dma_wait3A_55 : memref<8192x256xf32, #tpu.memory_space<hbm>>) dst(%arg6 : memref<128x256xf32, #tpu.memory_space<vmem>>)
    %mul3A_56 = arith.constant 768 : i32
    %mul3A_57 = arith.muli %add3A, %mul3A_56 : i32
    %add3A_58 = arith.constant 256 : i32
    %add3A_59 = arith.addi %mul3A_57, %add3A_58 : i32
    "tpu.region"() ({
      %run_scoped3A = tpu.sem_alloc : memref<!tpu.dma_semaphore, #tpu.memory_space<semaphore_mem>>
      %dma_start3A_107 = arith.constant 0 : i32
      %dma_start3A_108 = tpu.memref_slice %arg4[%add3A_59, %dma_start3A_107] : memref<24576x256xf32, #tpu.memory_space<hbm>> -> memref<128x256xf32, #tpu.memory_space<hbm>>
      %dma_start3A_109 = arith.constant 0 : i32
      %dma_start3A_110 = tpu.memref_slice %arg4[%add3A_59, %dma_start3A_109] : memref<24576x256xf32, #tpu.memory_space<hbm>> -> memref<128x256xf32, #tpu.memory_space<hbm>>
      tpu.enqueue_dma source(%arg6 : memref<128x256xf32, #tpu.memory_space<vmem>>) target(%dma_start3A_110 : memref<128x256xf32, #tpu.memory_space<hbm>>) target_semaphore(%run_scoped3A : memref<!tpu.dma_semaphore, #tpu.memory_space<semaphore_mem>>)
      %dma_wait3A_111 = arith.constant 0 : i32
      %dma_wait3A_112 = tpu.memref_slice %arg4[%add3A_59, %dma_wait3A_111] : memref<24576x256xf32, #tpu.memory_space<hbm>> -> memref<128x256xf32, #tpu.memory_space<hbm>>
      %dma_wait3A_113 = arith.constant 0 : i32
      %dma_wait3A_114 = tpu.memref_slice %arg4[%add3A_59, %dma_wait3A_113] : memref<24576x256xf32, #tpu.memory_space<hbm>> -> memref<128x256xf32, #tpu.memory_space<hbm>>
      tpu.wait_dma2 semaphore(%run_scoped3A : memref<!tpu.dma_semaphore, #tpu.memory_space<semaphore_mem>>) src(%arg6 : memref<128x256xf32, #tpu.memory_space<vmem>>) dst(%dma_wait3A_114 : memref<128x256xf32, #tpu.memory_space<hbm>>)
      tpu.yield
    }) : () -> ()
    %dma_start3A_60 = arith.constant 4 : i32
    %dma_start3A_61 = arith.constant 0 : i32
    %dma_start3A_62 = tpu.memref_slice %arg5[%dma_start3A_60, %dma_start3A_61] : memref<6x128xi32, #tpu.memory_space<vmem>> -> memref<1x128xi32, #tpu.memory_space<vmem>>
    %dma_start3A_63 = tpu.memref_squeeze %dma_start3A_62 : memref<1x128xi32, #tpu.memory_space<vmem>> -> memref<128xi32, #tpu.memory_space<vmem>>
    %dma_start3A_64 = arith.constant 0 : i32
    %dma_start3A_65 = arith.constant 0 : i32
    %dma_start3A_66 = tpu.memref_slice %arg2[%dma_start3A_64, %dma_start3A_65] : memref<8192x256xf32, #tpu.memory_space<hbm>> -> memref<8192x256xf32, #tpu.memory_space<hbm>>
    tpu.enqueue_indirect_dma source(%dma_start3A_66 : memref<8192x256xf32, #tpu.memory_space<hbm>>) target(%arg6 : memref<128x256xf32, #tpu.memory_space<vmem>>) offsets(%dma_start3A_63 : memref<128xi32, #tpu.memory_space<vmem>>) semaphore(%arg8 : memref<!tpu.dma_semaphore, #tpu.memory_space<semaphore_mem>>)
    %dma_wait3A_67 = arith.constant 3 : i32
    %dma_wait3A_68 = arith.constant 0 : i32
    %dma_wait3A_69 = tpu.memref_slice %arg5[%dma_wait3A_67, %dma_wait3A_68] : memref<6x128xi32, #tpu.memory_space<vmem>> -> memref<1x128xi32, #tpu.memory_space<vmem>>
    %dma_wait3A_70 = tpu.memref_squeeze %dma_wait3A_69 : memref<1x128xi32, #tpu.memory_space<vmem>> -> memref<128xi32, #tpu.memory_space<vmem>>
    %dma_wait3A_71 = arith.constant 0 : i32
    %dma_wait3A_72 = arith.constant 0 : i32
    %dma_wait3A_73 = tpu.memref_slice %arg2[%dma_wait3A_71, %dma_wait3A_72] : memref<8192x256xf32, #tpu.memory_space<hbm>> -> memref<8192x256xf32, #tpu.memory_space<hbm>>
    tpu.wait_indirect_dma semaphore(%arg9 : memref<!tpu.dma_semaphore, #tpu.memory_space<semaphore_mem>>) src(%dma_wait3A_73 : memref<8192x256xf32, #tpu.memory_space<hbm>>) dst(%arg7 : memref<128x256xf32, #tpu.memory_space<vmem>>)
    %mul3A_74 = arith.constant 768 : i32
    %mul3A_75 = arith.muli %add3A, %mul3A_74 : i32
    %add3A_76 = arith.constant 384 : i32
    %add3A_77 = arith.addi %mul3A_75, %add3A_76 : i32
    "tpu.region"() ({
      %run_scoped3A = tpu.sem_alloc : memref<!tpu.dma_semaphore, #tpu.memory_space<semaphore_mem>>
      %dma_start3A_107 = arith.constant 0 : i32
      %dma_start3A_108 = tpu.memref_slice %arg4[%add3A_77, %dma_start3A_107] : memref<24576x256xf32, #tpu.memory_space<hbm>> -> memref<128x256xf32, #tpu.memory_space<hbm>>
      %dma_start3A_109 = arith.constant 0 : i32
      %dma_start3A_110 = tpu.memref_slice %arg4[%add3A_77, %dma_start3A_109] : memref<24576x256xf32, #tpu.memory_space<hbm>> -> memref<128x256xf32, #tpu.memory_space<hbm>>
      tpu.enqueue_dma source(%arg7 : memref<128x256xf32, #tpu.memory_space<vmem>>) target(%dma_start3A_110 : memref<128x256xf32, #tpu.memory_space<hbm>>) target_semaphore(%run_scoped3A : memref<!tpu.dma_semaphore, #tpu.memory_space<semaphore_mem>>)
      %dma_wait3A_111 = arith.constant 0 : i32
      %dma_wait3A_112 = tpu.memref_slice %arg4[%add3A_77, %dma_wait3A_111] : memref<24576x256xf32, #tpu.memory_space<hbm>> -> memref<128x256xf32, #tpu.memory_space<hbm>>
      %dma_wait3A_113 = arith.constant 0 : i32
      %dma_wait3A_114 = tpu.memref_slice %arg4[%add3A_77, %dma_wait3A_113] : memref<24576x256xf32, #tpu.memory_space<hbm>> -> memref<128x256xf32, #tpu.memory_space<hbm>>
      tpu.wait_dma2 semaphore(%run_scoped3A : memref<!tpu.dma_semaphore, #tpu.memory_space<semaphore_mem>>) src(%arg7 : memref<128x256xf32, #tpu.memory_space<vmem>>) dst(%dma_wait3A_114 : memref<128x256xf32, #tpu.memory_space<hbm>>)
      tpu.yield
    }) : () -> ()
    %dma_start3A_78 = arith.constant 5 : i32
    %dma_start3A_79 = arith.constant 0 : i32
    %dma_start3A_80 = tpu.memref_slice %arg5[%dma_start3A_78, %dma_start3A_79] : memref<6x128xi32, #tpu.memory_space<vmem>> -> memref<1x128xi32, #tpu.memory_space<vmem>>
    %dma_start3A_81 = tpu.memref_squeeze %dma_start3A_80 : memref<1x128xi32, #tpu.memory_space<vmem>> -> memref<128xi32, #tpu.memory_space<vmem>>
    %dma_start3A_82 = arith.constant 0 : i32
    %dma_start3A_83 = arith.constant 0 : i32
    %dma_start3A_84 = tpu.memref_slice %arg2[%dma_start3A_82, %dma_start3A_83] : memref<8192x256xf32, #tpu.memory_space<hbm>> -> memref<8192x256xf32, #tpu.memory_space<hbm>>
    tpu.enqueue_indirect_dma source(%dma_start3A_84 : memref<8192x256xf32, #tpu.memory_space<hbm>>) target(%arg7 : memref<128x256xf32, #tpu.memory_space<vmem>>) offsets(%dma_start3A_81 : memref<128xi32, #tpu.memory_space<vmem>>) semaphore(%arg9 : memref<!tpu.dma_semaphore, #tpu.memory_space<semaphore_mem>>)
    %dma_wait3A_85 = arith.constant 4 : i32
    %dma_wait3A_86 = arith.constant 0 : i32
    %dma_wait3A_87 = tpu.memref_slice %arg5[%dma_wait3A_85, %dma_wait3A_86] : memref<6x128xi32, #tpu.memory_space<vmem>> -> memref<1x128xi32, #tpu.memory_space<vmem>>
    %dma_wait3A_88 = tpu.memref_squeeze %dma_wait3A_87 : memref<1x128xi32, #tpu.memory_space<vmem>> -> memref<128xi32, #tpu.memory_space<vmem>>
    %dma_wait3A_89 = arith.constant 0 : i32
    %dma_wait3A_90 = arith.constant 0 : i32
    %dma_wait3A_91 = tpu.memref_slice %arg2[%dma_wait3A_89, %dma_wait3A_90] : memref<8192x256xf32, #tpu.memory_space<hbm>> -> memref<8192x256xf32, #tpu.memory_space<hbm>>
    tpu.wait_indirect_dma semaphore(%arg8 : memref<!tpu.dma_semaphore, #tpu.memory_space<semaphore_mem>>) src(%dma_wait3A_91 : memref<8192x256xf32, #tpu.memory_space<hbm>>) dst(%arg6 : memref<128x256xf32, #tpu.memory_space<vmem>>)
    %mul3A_92 = arith.constant 768 : i32
    %mul3A_93 = arith.muli %add3A, %mul3A_92 : i32
    %add3A_94 = arith.constant 512 : i32
    %add3A_95 = arith.addi %mul3A_93, %add3A_94 : i32
    "tpu.region"() ({
      %run_scoped3A = tpu.sem_alloc : memref<!tpu.dma_semaphore, #tpu.memory_space<semaphore_mem>>
      %dma_start3A_107 = arith.constant 0 : i32
      %dma_start3A_108 = tpu.memref_slice %arg4[%add3A_95, %dma_start3A_107] : memref<24576x256xf32, #tpu.memory_space<hbm>> -> memref<128x256xf32, #tpu.memory_space<hbm>>
      %dma_start3A_109 = arith.constant 0 : i32
      %dma_start3A_110 = tpu.memref_slice %arg4[%add3A_95, %dma_start3A_109] : memref<24576x256xf32, #tpu.memory_space<hbm>> -> memref<128x256xf32, #tpu.memory_space<hbm>>
      tpu.enqueue_dma source(%arg6 : memref<128x256xf32, #tpu.memory_space<vmem>>) target(%dma_start3A_110 : memref<128x256xf32, #tpu.memory_space<hbm>>) target_semaphore(%run_scoped3A : memref<!tpu.dma_semaphore, #tpu.memory_space<semaphore_mem>>)
      %dma_wait3A_111 = arith.constant 0 : i32
      %dma_wait3A_112 = tpu.memref_slice %arg4[%add3A_95, %dma_wait3A_111] : memref<24576x256xf32, #tpu.memory_space<hbm>> -> memref<128x256xf32, #tpu.memory_space<hbm>>
      %dma_wait3A_113 = arith.constant 0 : i32
      %dma_wait3A_114 = tpu.memref_slice %arg4[%add3A_95, %dma_wait3A_113] : memref<24576x256xf32, #tpu.memory_space<hbm>> -> memref<128x256xf32, #tpu.memory_space<hbm>>
      tpu.wait_dma2 semaphore(%run_scoped3A : memref<!tpu.dma_semaphore, #tpu.memory_space<semaphore_mem>>) src(%arg6 : memref<128x256xf32, #tpu.memory_space<vmem>>) dst(%dma_wait3A_114 : memref<128x256xf32, #tpu.memory_space<hbm>>)
      tpu.yield
    }) : () -> ()
    %dma_wait3A_96 = arith.constant 5 : i32
    %dma_wait3A_97 = arith.constant 0 : i32
    %dma_wait3A_98 = tpu.memref_slice %arg5[%dma_wait3A_96, %dma_wait3A_97] : memref<6x128xi32, #tpu.memory_space<vmem>> -> memref<1x128xi32, #tpu.memory_space<vmem>>
    %dma_wait3A_99 = tpu.memref_squeeze %dma_wait3A_98 : memref<1x128xi32, #tpu.memory_space<vmem>> -> memref<128xi32, #tpu.memory_space<vmem>>
    %dma_wait3A_100 = arith.constant 0 : i32
    %dma_wait3A_101 = arith.constant 0 : i32
    %dma_wait3A_102 = tpu.memref_slice %arg2[%dma_wait3A_100, %dma_wait3A_101] : memref<8192x256xf32, #tpu.memory_space<hbm>> -> memref<8192x256xf32, #tpu.memory_space<hbm>>
    tpu.wait_indirect_dma semaphore(%arg9 : memref<!tpu.dma_semaphore, #tpu.memory_space<semaphore_mem>>) src(%dma_wait3A_102 : memref<8192x256xf32, #tpu.memory_space<hbm>>) dst(%arg7 : memref<128x256xf32, #tpu.memory_space<vmem>>)
    %mul3A_103 = arith.constant 768 : i32
    %mul3A_104 = arith.muli %add3A, %mul3A_103 : i32
    %add3A_105 = arith.constant 640 : i32
    %add3A_106 = arith.addi %mul3A_104, %add3A_105 : i32
    "tpu.region"() ({
      %run_scoped3A = tpu.sem_alloc : memref<!tpu.dma_semaphore, #tpu.memory_space<semaphore_mem>>
      %dma_start3A_107 = arith.constant 0 : i32
      %dma_start3A_108 = tpu.memref_slice %arg4[%add3A_106, %dma_start3A_107] : memref<24576x256xf32, #tpu.memory_space<hbm>> -> memref<128x256xf32, #tpu.memory_space<hbm>>
      %dma_start3A_109 = arith.constant 0 : i32
      %dma_start3A_110 = tpu.memref_slice %arg4[%add3A_106, %dma_start3A_109] : memref<24576x256xf32, #tpu.memory_space<hbm>> -> memref<128x256xf32, #tpu.memory_space<hbm>>
      tpu.enqueue_dma source(%arg7 : memref<128x256xf32, #tpu.memory_space<vmem>>) target(%dma_start3A_110 : memref<128x256xf32, #tpu.memory_space<hbm>>) target_semaphore(%run_scoped3A : memref<!tpu.dma_semaphore, #tpu.memory_space<semaphore_mem>>)
      %dma_wait3A_111 = arith.constant 0 : i32
      %dma_wait3A_112 = tpu.memref_slice %arg4[%add3A_106, %dma_wait3A_111] : memref<24576x256xf32, #tpu.memory_space<hbm>> -> memref<128x256xf32, #tpu.memory_space<hbm>>
      %dma_wait3A_113 = arith.constant 0 : i32
      %dma_wait3A_114 = tpu.memref_slice %arg4[%add3A_106, %dma_wait3A_113] : memref<24576x256xf32, #tpu.memory_space<hbm>> -> memref<128x256xf32, #tpu.memory_space<hbm>>
      tpu.wait_dma2 semaphore(%run_scoped3A : memref<!tpu.dma_semaphore, #tpu.memory_space<semaphore_mem>>) src(%arg7 : memref<128x256xf32, #tpu.memory_space<vmem>>) dst(%dma_wait3A_114 : memref<128x256xf32, #tpu.memory_space<hbm>>)
      tpu.yield
    }) : () -> ()
    return
  }
}

module attributes {stable_mosaic.version = 14 : i64} {
  func.func @_finalize_body(%arg0: memref<16x8x512xf32, #tpu.memory_space<vmem>>, %arg1: memref<8192x128xf32, #tpu.memory_space<vmem>>, %arg2: memref<1x1xf32, #tpu.memory_space<vmem>>, %arg3: memref<1x1xf32, #tpu.memory_space<vmem>>, %arg4: memref<16x512xf32, #tpu.memory_space<vmem>>) attributes {dimension_semantics = [], scalar_prefetch = 0 : i64, scratch_operands = 0 : i64, tpu.core_type = #tpu.core_type<tc>} {
    %get3A = arith.constant 0 : index
    %get3A_0 = arith.constant 0 : index
    %get3A_1 = arith.constant 0 : index
    %get3A_2 = vector.load %arg0[%get3A, %get3A_0, %get3A_1] : memref<16x8x512xf32, #tpu.memory_space<vmem>>, vector<16x8x512xf32>
    %slice3A = vector.extract_strided_slice %get3A_2 {offsets = [0, 0, 0], sizes = [16, 1, 512], strides = [1, 1, 1]} : vector<16x8x512xf32> to vector<16x1x512xf32>
    %squeeze3A = vector.shape_cast %slice3A : vector<16x1x512xf32> to vector<16x512xf32>
    %mul3A = arith.constant 1.22070313E-4 : f32
    %mul3A_3 = vector.broadcast %mul3A : f32 to vector<16x512xf32>
    %mul3A_4 = arith.mulf %squeeze3A, %mul3A_3 : vector<16x512xf32>
    %swap3A = arith.constant 0 : index
    %swap3A_5 = arith.constant 0 : index
    %swap3A_6 = vector.load %arg4[%swap3A, %swap3A_5] : memref<16x512xf32, #tpu.memory_space<vmem>>, vector<16x512xf32>
    tpu.vector_store %arg4[%swap3A, %swap3A_5], %mul3A_4 {strides = array<i32>} : memref<16x512xf32, #tpu.memory_space<vmem>>, vector<16x512xf32>,
    %add3A = arith.constant 1.000000e-10 : f32
    %add3A_7 = vector.broadcast %add3A : f32 to vector<16x512xf32>
    %add3A_8 = arith.addf %mul3A_4, %add3A_7 : vector<16x512xf32>
    %log3A = math.log %add3A_8 : vector<16x512xf32>
    %mul3A_9 = arith.mulf %mul3A_4, %log3A : vector<16x512xf32>
    %reduce_sum3A = vector.shape_cast %mul3A_9 : vector<16x512xf32> to vector<1x16x512xf32>
    %reduce_sum3A_10 = arith.constant dense<0.000000e+00> : vector<1xf32>
    %reduce_sum3A_11 = vector.multi_reduction <add>, %reduce_sum3A, %reduce_sum3A_10 [1, 2] : vector<1x16x512xf32> to vector<1xf32>
    %reduce_sum3A_12 = vector.shape_cast %reduce_sum3A_11 : vector<1xf32> to vector<1x1x1xf32>
    %reduce_sum3A_13 = vector.extract %reduce_sum3A_12[0, 0, 0] : f32 from vector<1x1x1xf32>
    %neg3A = arith.constant 0.000000e+00 : f32
    %neg3A_14 = arith.subf %neg3A, %reduce_sum3A_13 : f32
    %exp3A = math.exp %neg3A_14 : f32
    %reshape3A = vector.broadcast %exp3A : f32 to vector<1x1xf32>
    %swap3A_15 = arith.constant 0 : index
    %swap3A_16 = arith.constant 0 : index
    %swap3A_17 = vector.load %arg3[%swap3A_15, %swap3A_16] : memref<1x1xf32, #tpu.memory_space<vmem>>, vector<1x1xf32>
    tpu.vector_store %arg3[%swap3A_15, %swap3A_16], %reshape3A {strides = array<i32>} : memref<1x1xf32, #tpu.memory_space<vmem>>, vector<1x1xf32>,
    %get3A_18 = arith.constant 0 : index
    %get3A_19 = arith.constant 0 : index
    %get3A_20 = vector.load %arg1[%get3A_18, %get3A_19] : memref<8192x128xf32, #tpu.memory_space<vmem>>, vector<8192x128xf32>
    %iota3A = tpu.iota {dimensions = array<i32: 1>} : vector<8192x128xi32>
    %lt3A = arith.constant 3 : i32
    %lt3A_21 = vector.broadcast %lt3A : i32 to vector<8192x128xi32>
    %lt3A_22 = arith.cmpi slt, %iota3A, %lt3A_21 : vector<8192x128xi32>
    %jit3A = arith.constant 0.000000e+00 : f32
    %broadcast_in_dim3A = vector.broadcast %jit3A : f32 to vector<8192x128xf32>
    %select_n3A = arith.select %lt3A_22, %get3A_20, %broadcast_in_dim3A : vector<8192x128xi1>, vector<8192x128xf32>
    %reduce_sum3A_23 = vector.shape_cast %select_n3A : vector<8192x128xf32> to vector<1x8192x128xf32>
    %reduce_sum3A_24 = arith.constant dense<0.000000e+00> : vector<1xf32>
    %reduce_sum3A_25 = vector.multi_reduction <add>, %reduce_sum3A_23, %reduce_sum3A_24 [1, 2] : vector<1x8192x128xf32> to vector<1xf32>
    %reduce_sum3A_26 = vector.shape_cast %reduce_sum3A_25 : vector<1xf32> to vector<1x1x1xf32>
    %reduce_sum3A_27 = vector.extract %reduce_sum3A_26[0, 0, 0] : f32 from vector<1x1x1xf32>
    %mul3A_28 = arith.constant 2.500000e-01 : f32
    %mul3A_29 = arith.mulf %mul3A_28, %reduce_sum3A_27 : f32
    %div3A = arith.constant 0x4AC00000 : f32
    %div3A_30 = arith.divf %mul3A_29, %div3A : f32
    %reshape3A_31 = vector.broadcast %div3A_30 : f32 to vector<1x1xf32>
    %swap3A_32 = arith.constant 0 : index
    %swap3A_33 = arith.constant 0 : index
    %swap3A_34 = vector.load %arg2[%swap3A_32, %swap3A_33] : memref<1x1xf32, #tpu.memory_space<vmem>>, vector<1x1xf32>
    tpu.vector_store %arg2[%swap3A_32, %swap3A_33], %reshape3A_31 {strides = array<i32>} : memref<1x1xf32, #tpu.memory_space<vmem>>, vector<1x1xf32>,
    return
  }
}

module attributes {stable_mosaic.version = 14 : i64} {
  func.func @_dist_topk_body(%arg0: i32, %arg1: i32, %arg2: memref<256x256xf32, #tpu.memory_space<vmem>>, %arg3: memref<8192x256xf32, #tpu.memory_space<vmem>>, %arg4: memref<256x512xf32, #tpu.memory_space<vmem>>, %arg5: memref<256x128xf32, #tpu.memory_space<vmem>>, %arg6: memref<256x128xi32, #tpu.memory_space<vmem>>, %arg7: memref<16x8x512xf32, #tpu.memory_space<vmem>>, %arg8: memref<16x256x8xf32, #tpu.memory_space<vmem>>, %arg9: memref<16x256x8xi32, #tpu.memory_space<vmem>>, %arg10: memref<16x256x512xf32, #tpu.memory_space<vmem>>, %arg11: memref<16x8x512xf32, #tpu.memory_space<vmem>>) attributes {dimension_semantics = [#tpu.dimension_semantics<arbitrary>, #tpu.dimension_semantics<arbitrary>], iteration_bounds = array<i64: 32, 16>, scalar_prefetch = 0 : i64, scratch_operands = 4 : i64, tpu.core_type = #tpu.core_type<tc>, window_params = [{transform_indices = @transform_0, window_bounds = array<i64: 256, 256>}, {pipeline_mode = #tpu.pipeline_mode<synchronous>, transform_indices = @transform_1, window_bounds = array<i64: 8192, 256>}, {transform_indices = @transform_2, window_bounds = array<i64: 256, 512>}, {transform_indices = @transform_3, window_bounds = array<i64: 256, 128>}, {transform_indices = @transform_4, window_bounds = array<i64: 256, 128>}, {pipeline_mode = #tpu.pipeline_mode<synchronous>, transform_indices = @transform_5, window_bounds = array<i64: 16, 8, 512>}]} {
    %get3A = arith.constant 0 : index
    %get3A_0 = arith.constant 0 : index
    %get3A_1 = vector.load %arg2[%get3A, %get3A_0] : memref<256x256xf32, #tpu.memory_space<vmem>>, vector<256x256xf32>
    %mul3A = arith.constant 512 : i32
    %mul3A_2 = arith.muli %arg1, %mul3A : i32
    %get3A_3 = arith.index_cast %mul3A_2 : i32 to index
    %get3A_4 = arith.constant 0 : index
    %get3A_5 = vector.load %arg3[%get3A_3, %get3A_4] : memref<8192x256xf32, #tpu.memory_space<vmem>>, vector<512x256xf32>
    %mul3A_6 = arith.mulf %get3A_1, %get3A_1 : vector<256x256xf32>
    %reduce_sum3A = arith.constant dense<0.000000e+00> : vector<256xf32>
    %reduce_sum3A_7 = vector.multi_reduction <add>, %mul3A_6, %reduce_sum3A [1] : vector<256x256xf32> to vector<256xf32>
    %broadcast_in_dim3A = vector.shape_cast %reduce_sum3A_7 : vector<256xf32> to vector<256x1xf32>
    %mul3A_8 = arith.mulf %get3A_5, %get3A_5 : vector<512x256xf32>
    %reduce_sum3A_9 = arith.constant dense<0.000000e+00> : vector<512xf32>
    %reduce_sum3A_10 = vector.multi_reduction <add>, %mul3A_8, %reduce_sum3A_9 [1] : vector<512x256xf32> to vector<512xf32>
    %broadcast_in_dim3A_11 = vector.shape_cast %reduce_sum3A_10 : vector<512xf32> to vector<1x512xf32>
    %dot_general3A = arith.constant dense<0.000000e+00> : vector<256x512xf32>
    %dot_general3A_12 = tpu.matmul %get3A_1, %get3A_5, %dot_general3A {dimension_numbers = #tpu.dot_dimension_numbers<[1], [1], [0], [0], [0, 0, 1, 0], [], []>, transpose_lhs_hint = false} : vector<256x256xf32>, vector<512x256xf32>, vector<256x512xf32> -> vector<256x512xf32>
    %add3A = vector.broadcast %broadcast_in_dim3A : vector<256x1xf32> to vector<256x512xf32>
    %add3A_13 = vector.broadcast %broadcast_in_dim3A_11 : vector<1x512xf32> to vector<256x512xf32>
    %add3A_14 = arith.addf %add3A, %add3A_13 : vector<256x512xf32>
    %mul3A_15 = arith.constant 2.000000e+00 : f32
    %mul3A_16 = vector.broadcast %mul3A_15 : f32 to vector<256x512xf32>
    %mul3A_17 = arith.mulf %mul3A_16, %dot_general3A_12 : vector<256x512xf32>
    %sub3A = arith.subf %add3A_14, %mul3A_17 : vector<256x512xf32>
    %swap3A = arith.constant 0 : index
    %swap3A_18 = arith.constant 0 : index
    %swap3A_19 = vector.load %arg4[%swap3A, %swap3A_18] : memref<256x512xf32, #tpu.memory_space<vmem>>, vector<256x512xf32>
    tpu.vector_store %arg4[%swap3A, %swap3A_18], %sub3A {strides = array<i32>} : memref<256x512xf32, #tpu.memory_space<vmem>>, vector<256x512xf32>,
    %swap3A_20 = arith.index_cast %arg1 : i32 to index
    %swap3A_21 = arith.constant 0 : index
    %swap3A_22 = arith.constant 0 : index
    %swap3A_23 = vector.load %arg10[%swap3A_20, %swap3A_21, %swap3A_22] : memref<16x256x512xf32, #tpu.memory_space<vmem>>, vector<1x256x512xf32>
    %swap3A_24 = vector.shape_cast %swap3A_23 : vector<1x256x512xf32> to vector<256x512xf32>
    %swap3A_25 = vector.shape_cast %sub3A : vector<256x512xf32> to vector<1x256x512xf32>
    tpu.vector_store %arg10[%swap3A_20, %swap3A_21, %swap3A_22], %swap3A_25 {strides = array<i32>} : memref<16x256x512xf32, #tpu.memory_space<vmem>>, vector<1x256x512xf32>,
    %iota3A = tpu.iota {dimensions = array<i32: 1>} : vector<256x512xi32>
    %mul3A_26 = arith.constant 512 : i32
    %mul3A_27 = arith.muli %arg1, %mul3A_26 : i32
    %add3A_28 = vector.broadcast %mul3A_27 : i32 to vector<256x512xi32>
    %add3A_29 = arith.addi %iota3A, %add3A_28 : vector<256x512xi32>
    %reduce_min3A = arith.constant dense<0x7F800000> : vector<256xf32>
    %reduce_min3A_30 = vector.multi_reduction <minimumf>, %sub3A, %reduce_min3A [1] : vector<256x512xf32> to vector<256xf32>
    %broadcast_in_dim3A_31 = vector.shape_cast %reduce_min3A_30 : vector<256xf32> to vector<256x1xf32>
    %eq3A = vector.broadcast %broadcast_in_dim3A_31 : vector<256x1xf32> to vector<256x512xf32>
    %eq3A_32 = arith.cmpf oeq, %sub3A, %eq3A : vector<256x512xf32>
    %jit3A = arith.constant 1073741824 : i32
    %broadcast_in_dim3A_33 = vector.broadcast %jit3A : i32 to vector<256x512xi32>
    %select_n3A = arith.select %eq3A_32, %add3A_29, %broadcast_in_dim3A_33 : vector<256x512xi1>, vector<256x512xi32>
    %reduce_min3A_34 = arith.constant dense<2147483647> : vector<256xi32>
    %reduce_min3A_35 = vector.multi_reduction <minsi>, %select_n3A, %reduce_min3A_34 [1] : vector<256x512xi32> to vector<256xi32>
    %broadcast_in_dim3A_36 = vector.shape_cast %reduce_min3A_35 : vector<256xi32> to vector<256x1xi32>
    %eq3A_37 = vector.broadcast %broadcast_in_dim3A_36 : vector<256x1xi32> to vector<256x512xi32>
    %eq3A_38 = arith.cmpi eq, %add3A_29, %eq3A_37 : vector<256x512xi32>
    %jit3A_39 = arith.constant 0x7F800000 : f32
    %broadcast_in_dim3A_40 = vector.broadcast %jit3A_39 : f32 to vector<256x512xf32>
    %select_n3A_41 = arith.select %eq3A_38, %broadcast_in_dim3A_40, %sub3A : vector<256x512xi1>, vector<256x512xf32>
    %reduce_min3A_42 = arith.constant dense<0x7F800000> : vector<256xf32>
    %reduce_min3A_43 = vector.multi_reduction <minimumf>, %select_n3A_41, %reduce_min3A_42 [1] : vector<256x512xf32> to vector<256xf32>
    %broadcast_in_dim3A_44 = vector.shape_cast %reduce_min3A_43 : vector<256xf32> to vector<256x1xf32>
    %eq3A_45 = vector.broadcast %broadcast_in_dim3A_44 : vector<256x1xf32> to vector<256x512xf32>
    %eq3A_46 = arith.cmpf oeq, %select_n3A_41, %eq3A_45 : vector<256x512xf32>
    %jit3A_47 = arith.constant 1073741824 : i32
    %broadcast_in_dim3A_48 = vector.broadcast %jit3A_47 : i32 to vector<256x512xi32>
    %select_n3A_49 = arith.select %eq3A_46, %add3A_29, %broadcast_in_dim3A_48 : vector<256x512xi1>, vector<256x512xi32>
    %reduce_min3A_50 = arith.constant dense<2147483647> : vector<256xi32>
    %reduce_min3A_51 = vector.multi_reduction <minsi>, %select_n3A_49, %reduce_min3A_50 [1] : vector<256x512xi32> to vector<256xi32>
    %broadcast_in_dim3A_52 = vector.shape_cast %reduce_min3A_51 : vector<256xi32> to vector<256x1xi32>
    %eq3A_53 = vector.broadcast %broadcast_in_dim3A_52 : vector<256x1xi32> to vector<256x512xi32>
    %eq3A_54 = arith.cmpi eq, %add3A_29, %eq3A_53 : vector<256x512xi32>
    %jit3A_55 = arith.constant 0x7F800000 : f32
    %broadcast_in_dim3A_56 = vector.broadcast %jit3A_55 : f32 to vector<256x512xf32>
    %select_n3A_57 = arith.select %eq3A_54, %broadcast_in_dim3A_56, %select_n3A_41 : vector<256x512xi1>, vector<256x512xf32>
    %reduce_min3A_58 = arith.constant dense<0x7F800000> : vector<256xf32>
    %reduce_min3A_59 = vector.multi_reduction <minimumf>, %select_n3A_57, %reduce_min3A_58 [1] : vector<256x512xf32> to vector<256xf32>
    %broadcast_in_dim3A_60 = vector.shape_cast %reduce_min3A_59 : vector<256xf32> to vector<256x1xf32>
    %eq3A_61 = vector.broadcast %broadcast_in_dim3A_60 : vector<256x1xf32> to vector<256x512xf32>
    %eq3A_62 = arith.cmpf oeq, %select_n3A_57, %eq3A_61 : vector<256x512xf32>
    %jit3A_63 = arith.constant 1073741824 : i32
    %broadcast_in_dim3A_64 = vector.broadcast %jit3A_63 : i32 to vector<256x512xi32>
    %select_n3A_65 = arith.select %eq3A_62, %add3A_29, %broadcast_in_dim3A_64 : vector<256x512xi1>, vector<256x512xi32>
    %reduce_min3A_66 = arith.constant dense<2147483647> : vector<256xi32>
    %reduce_min3A_67 = vector.multi_reduction <minsi>, %select_n3A_65, %reduce_min3A_66 [1] : vector<256x512xi32> to vector<256xi32>
    %broadcast_in_dim3A_68 = vector.shape_cast %reduce_min3A_67 : vector<256xi32> to vector<256x1xi32>
    %iota3A_69 = tpu.iota {dimensions = array<i32: 1>} : vector<256x8xi32>
    %eq3A_70 = arith.constant 0 : i32
    %eq3A_71 = vector.broadcast %eq3A_70 : i32 to vector<256x8xi32>
    %eq3A_72 = arith.cmpi eq, %iota3A_69, %eq3A_71 : vector<256x8xi32>
    %eq3A_73 = arith.constant 1 : i32
    %eq3A_74 = vector.broadcast %eq3A_73 : i32 to vector<256x8xi32>
    %eq3A_75 = arith.cmpi eq, %iota3A_69, %eq3A_74 : vector<256x8xi32>
    %eq3A_76 = arith.constant 2 : i32
    %eq3A_77 = vector.broadcast %eq3A_76 : i32 to vector<256x8xi32>
    %eq3A_78 = arith.cmpi eq, %iota3A_69, %eq3A_77 : vector<256x8xi32>
    %jit3A_79 = arith.constant 0x7F800000 : f32
    %broadcast_in_dim3A_80 = vector.shape_cast %broadcast_in_dim3A_60 : vector<256x1xf32> to vector<256x1xf32>
    %broadcast_in_dim3A_81 = vector.broadcast %broadcast_in_dim3A_80 : vector<256x1xf32> to vector<256x8xf32>
    %broadcast_in_dim3A_82 = vector.broadcast %jit3A_79 : f32 to vector<256x8xf32>
    %select_n3A_83 = arith.select %eq3A_78, %broadcast_in_dim3A_81, %broadcast_in_dim3A_82 : vector<256x8xi1>, vector<256x8xf32>
    %broadcast_in_dim3A_84 = vector.shape_cast %broadcast_in_dim3A_44 : vector<256x1xf32> to vector<256x1xf32>
    %broadcast_in_dim3A_85 = vector.broadcast %broadcast_in_dim3A_84 : vector<256x1xf32> to vector<256x8xf32>
    %select_n3A_86 = arith.select %eq3A_75, %broadcast_in_dim3A_85, %select_n3A_83 : vector<256x8xi1>, vector<256x8xf32>
    %broadcast_in_dim3A_87 = vector.shape_cast %broadcast_in_dim3A_31 : vector<256x1xf32> to vector<256x1xf32>
    %broadcast_in_dim3A_88 = vector.broadcast %broadcast_in_dim3A_87 : vector<256x1xf32> to vector<256x8xf32>
    %select_n3A_89 = arith.select %eq3A_72, %broadcast_in_dim3A_88, %select_n3A_86 : vector<256x8xi1>, vector<256x8xf32>
    %swap3A_90 = arith.index_cast %arg1 : i32 to index
    %swap3A_91 = arith.constant 0 : index
    %swap3A_92 = arith.constant 0 : index
    %swap3A_93 = vector.load %arg8[%swap3A_90, %swap3A_91, %swap3A_92] : memref<16x256x8xf32, #tpu.memory_space<vmem>>, vector<1x256x8xf32>
    %swap3A_94 = vector.shape_cast %swap3A_93 : vector<1x256x8xf32> to vector<256x8xf32>
    %swap3A_95 = vector.shape_cast %select_n3A_89 : vector<256x8xf32> to vector<1x256x8xf32>
    tpu.vector_store %arg8[%swap3A_90, %swap3A_91, %swap3A_92], %swap3A_95 {strides = array<i32>} : memref<16x256x8xf32, #tpu.memory_space<vmem>>, vector<1x256x8xf32>,
    %eq3A_96 = arith.constant 0 : i32
    %eq3A_97 = vector.broadcast %eq3A_96 : i32 to vector<256x8xi32>
    %eq3A_98 = arith.cmpi eq, %iota3A_69, %eq3A_97 : vector<256x8xi32>
    %eq3A_99 = arith.constant 1 : i32
    %eq3A_100 = vector.broadcast %eq3A_99 : i32 to vector<256x8xi32>
    %eq3A_101 = arith.cmpi eq, %iota3A_69, %eq3A_100 : vector<256x8xi32>
    %eq3A_102 = arith.constant 2 : i32
    %eq3A_103 = vector.broadcast %eq3A_102 : i32 to vector<256x8xi32>
    %eq3A_104 = arith.cmpi eq, %iota3A_69, %eq3A_103 : vector<256x8xi32>
    %jit3A_105 = arith.constant 0 : i32
    %broadcast_in_dim3A_106 = vector.shape_cast %broadcast_in_dim3A_68 : vector<256x1xi32> to vector<256x1xi32>
    %broadcast_in_dim3A_107 = vector.broadcast %broadcast_in_dim3A_106 : vector<256x1xi32> to vector<256x8xi32>
    %broadcast_in_dim3A_108 = vector.broadcast %jit3A_105 : i32 to vector<256x8xi32>
    %select_n3A_109 = arith.select %eq3A_104, %broadcast_in_dim3A_107, %broadcast_in_dim3A_108 : vector<256x8xi1>, vector<256x8xi32>
    %broadcast_in_dim3A_110 = vector.shape_cast %broadcast_in_dim3A_52 : vector<256x1xi32> to vector<256x1xi32>
    %broadcast_in_dim3A_111 = vector.broadcast %broadcast_in_dim3A_110 : vector<256x1xi32> to vector<256x8xi32>
    %select_n3A_112 = arith.select %eq3A_101, %broadcast_in_dim3A_111, %select_n3A_109 : vector<256x8xi1>, vector<256x8xi32>
    %broadcast_in_dim3A_113 = vector.shape_cast %broadcast_in_dim3A_36 : vector<256x1xi32> to vector<256x1xi32>
    %broadcast_in_dim3A_114 = vector.broadcast %broadcast_in_dim3A_113 : vector<256x1xi32> to vector<256x8xi32>
    %select_n3A_115 = arith.select %eq3A_98, %broadcast_in_dim3A_114, %select_n3A_112 : vector<256x8xi1>, vector<256x8xi32>
    %swap3A_116 = arith.index_cast %arg1 : i32 to index
    %swap3A_117 = arith.constant 0 : index
    %swap3A_118 = arith.constant 0 : index
    %swap3A_119 = vector.load %arg9[%swap3A_116, %swap3A_117, %swap3A_118] : memref<16x256x8xi32, #tpu.memory_space<vmem>>, vector<1x256x8xi32>
    %swap3A_120 = vector.shape_cast %swap3A_119 : vector<1x256x8xi32> to vector<256x8xi32>
    %swap3A_121 = vector.shape_cast %select_n3A_115 : vector<256x8xi32> to vector<1x256x8xi32>
    tpu.vector_store %arg9[%swap3A_116, %swap3A_117, %swap3A_118], %swap3A_121 {strides = array<i32>} : memref<16x256x8xi32, #tpu.memory_space<vmem>>, vector<1x256x8xi32>,
    %eq3A_122 = arith.constant 15 : i32
    %eq3A_123 = arith.cmpi eq, %arg1, %eq3A_122 : i32
    %convert_element_type3A = arith.extui %eq3A_123 : i1 to i32
    %cond3A = arith.constant 0 : i32
    %cond3A_124 = arith.cmpi ne, %convert_element_type3A, %cond3A : i32
    scf.if %cond3A_124 {
      %get3A_125 = arith.constant 0 : index
      %get3A_126 = arith.constant 0 : index
      %get3A_127 = arith.constant 0 : index
      %get3A_128 = vector.load %arg8[%get3A_125, %get3A_126, %get3A_127] : memref<16x256x8xf32, #tpu.memory_space<vmem>>, vector<1x256x8xf32>
      %get3A_129 = vector.shape_cast %get3A_128 : vector<1x256x8xf32> to vector<256x8xf32>
      %get3A_130 = arith.constant 1 : index
      %get3A_131 = arith.constant 0 : index
      %get3A_132 = arith.constant 0 : index
      %get3A_133 = vector.load %arg8[%get3A_130, %get3A_131, %get3A_132] : memref<16x256x8xf32, #tpu.memory_space<vmem>>, vector<1x256x8xf32>
      %get3A_134 = vector.shape_cast %get3A_133 : vector<1x256x8xf32> to vector<256x8xf32>
      %get3A_135 = arith.constant 2 : index
      %get3A_136 = arith.constant 0 : index
      %get3A_137 = arith.constant 0 : index
      %get3A_138 = vector.load %arg8[%get3A_135, %get3A_136, %get3A_137] : memref<16x256x8xf32, #tpu.memory_space<vmem>>, vector<1x256x8xf32>
      %get3A_139 = vector.shape_cast %get3A_138 : vector<1x256x8xf32> to vector<256x8xf32>
      %get3A_140 = arith.constant 3 : index
      %get3A_141 = arith.constant 0 : index
      %get3A_142 = arith.constant 0 : index
      %get3A_143 = vector.load %arg8[%get3A_140, %get3A_141, %get3A_142] : memref<16x256x8xf32, #tpu.memory_space<vmem>>, vector<1x256x8xf32>
      %get3A_144 = vector.shape_cast %get3A_143 : vector<1x256x8xf32> to vector<256x8xf32>
      %get3A_145 = arith.constant 4 : index
      %get3A_146 = arith.constant 0 : index
      %get3A_147 = arith.constant 0 : index
      %get3A_148 = vector.load %arg8[%get3A_145, %get3A_146, %get3A_147] : memref<16x256x8xf32, #tpu.memory_space<vmem>>, vector<1x256x8xf32>
      %get3A_149 = vector.shape_cast %get3A_148 : vector<1x256x8xf32> to vector<256x8xf32>
      %get3A_150 = arith.constant 5 : index
      %get3A_151 = arith.constant 0 : index
      %get3A_152 = arith.constant 0 : index
      %get3A_153 = vector.load %arg8[%get3A_150, %get3A_151, %get3A_152] : memref<16x256x8xf32, #tpu.memory_space<vmem>>, vector<1x256x8xf32>
      %get3A_154 = vector.shape_cast %get3A_153 : vector<1x256x8xf32> to vector<256x8xf32>
      %get3A_155 = arith.constant 6 : index
      %get3A_156 = arith.constant 0 : index
      %get3A_157 = arith.constant 0 : index
      %get3A_158 = vector.load %arg8[%get3A_155, %get3A_156, %get3A_157] : memref<16x256x8xf32, #tpu.memory_space<vmem>>, vector<1x256x8xf32>
      %get3A_159 = vector.shape_cast %get3A_158 : vector<1x256x8xf32> to vector<256x8xf32>
      %get3A_160 = arith.constant 7 : index
      %get3A_161 = arith.constant 0 : index
      %get3A_162 = arith.constant 0 : index
      %get3A_163 = vector.load %arg8[%get3A_160, %get3A_161, %get3A_162] : memref<16x256x8xf32, #tpu.memory_space<vmem>>, vector<1x256x8xf32>
      %get3A_164 = vector.shape_cast %get3A_163 : vector<1x256x8xf32> to vector<256x8xf32>
      %get3A_165 = arith.constant 8 : index
      %get3A_166 = arith.constant 0 : index
      %get3A_167 = arith.constant 0 : index
      %get3A_168 = vector.load %arg8[%get3A_165, %get3A_166, %get3A_167] : memref<16x256x8xf32, #tpu.memory_space<vmem>>, vector<1x256x8xf32>
      %get3A_169 = vector.shape_cast %get3A_168 : vector<1x256x8xf32> to vector<256x8xf32>
      %get3A_170 = arith.constant 9 : index
      %get3A_171 = arith.constant 0 : index
      %get3A_172 = arith.constant 0 : index
      %get3A_173 = vector.load %arg8[%get3A_170, %get3A_171, %get3A_172] : memref<16x256x8xf32, #tpu.memory_space<vmem>>, vector<1x256x8xf32>
      %get3A_174 = vector.shape_cast %get3A_173 : vector<1x256x8xf32> to vector<256x8xf32>
      %get3A_175 = arith.constant 10 : index
      %get3A_176 = arith.constant 0 : index
      %get3A_177 = arith.constant 0 : index
      %get3A_178 = vector.load %arg8[%get3A_175, %get3A_176, %get3A_177] : memref<16x256x8xf32, #tpu.memory_space<vmem>>, vector<1x256x8xf32>
      %get3A_179 = vector.shape_cast %get3A_178 : vector<1x256x8xf32> to vector<256x8xf32>
      %get3A_180 = arith.constant 11 : index
      %get3A_181 = arith.constant 0 : index
      %get3A_182 = arith.constant 0 : index
      %get3A_183 = vector.load %arg8[%get3A_180, %get3A_181, %get3A_182] : memref<16x256x8xf32, #tpu.memory_space<vmem>>, vector<1x256x8xf32>
      %get3A_184 = vector.shape_cast %get3A_183 : vector<1x256x8xf32> to vector<256x8xf32>
      %get3A_185 = arith.constant 12 : index
      %get3A_186 = arith.constant 0 : index
      %get3A_187 = arith.constant 0 : index
      %get3A_188 = vector.load %arg8[%get3A_185, %get3A_186, %get3A_187] : memref<16x256x8xf32, #tpu.memory_space<vmem>>, vector<1x256x8xf32>
      %get3A_189 = vector.shape_cast %get3A_188 : vector<1x256x8xf32> to vector<256x8xf32>
      %get3A_190 = arith.constant 13 : index
      %get3A_191 = arith.constant 0 : index
      %get3A_192 = arith.constant 0 : index
      %get3A_193 = vector.load %arg8[%get3A_190, %get3A_191, %get3A_192] : memref<16x256x8xf32, #tpu.memory_space<vmem>>, vector<1x256x8xf32>
      %get3A_194 = vector.shape_cast %get3A_193 : vector<1x256x8xf32> to vector<256x8xf32>
      %get3A_195 = arith.constant 14 : index
      %get3A_196 = arith.constant 0 : index
      %get3A_197 = arith.constant 0 : index
      %get3A_198 = vector.load %arg8[%get3A_195, %get3A_196, %get3A_197] : memref<16x256x8xf32, #tpu.memory_space<vmem>>, vector<1x256x8xf32>
      %get3A_199 = vector.shape_cast %get3A_198 : vector<1x256x8xf32> to vector<256x8xf32>
      %get3A_200 = arith.constant 15 : index
      %get3A_201 = arith.constant 0 : index
      %get3A_202 = arith.constant 0 : index
      %get3A_203 = vector.load %arg8[%get3A_200, %get3A_201, %get3A_202] : memref<16x256x8xf32, #tpu.memory_space<vmem>>, vector<1x256x8xf32>
      %get3A_204 = vector.shape_cast %get3A_203 : vector<1x256x8xf32> to vector<256x8xf32>
      %concatenate3A = tpu.concatenate %get3A_129, %get3A_134, %get3A_139, %get3A_144, %get3A_149, %get3A_154, %get3A_159, %get3A_164, %get3A_169, %get3A_174, %get3A_179, %get3A_184, %get3A_189, %get3A_194, %get3A_199, %get3A_204 in 1 : vector<256x8xf32>, vector<256x8xf32>, vector<256x8xf32>, vector<256x8xf32>, vector<256x8xf32>, vector<256x8xf32>, vector<256x8xf32>, vector<256x8xf32>, vector<256x8xf32>, vector<256x8xf32>, vector<256x8xf32>, vector<256x8xf32>, vector<256x8xf32>, vector<256x8xf32>, vector<256x8xf32>, vector<256x8xf32> -> vector<256x128xf32>
      %get3A_205 = arith.constant 0 : index
      %get3A_206 = arith.constant 0 : index
      %get3A_207 = arith.constant 0 : index
      %get3A_208 = vector.load %arg9[%get3A_205, %get3A_206, %get3A_207] : memref<16x256x8xi32, #tpu.memory_space<vmem>>, vector<1x256x8xi32>
      %get3A_209 = vector.shape_cast %get3A_208 : vector<1x256x8xi32> to vector<256x8xi32>
      %get3A_210 = arith.constant 1 : index
      %get3A_211 = arith.constant 0 : index
      %get3A_212 = arith.constant 0 : index
      %get3A_213 = vector.load %arg9[%get3A_210, %get3A_211, %get3A_212] : memref<16x256x8xi32, #tpu.memory_space<vmem>>, vector<1x256x8xi32>
      %get3A_214 = vector.shape_cast %get3A_213 : vector<1x256x8xi32> to vector<256x8xi32>
      %get3A_215 = arith.constant 2 : index
      %get3A_216 = arith.constant 0 : index
      %get3A_217 = arith.constant 0 : index
      %get3A_218 = vector.load %arg9[%get3A_215, %get3A_216, %get3A_217] : memref<16x256x8xi32, #tpu.memory_space<vmem>>, vector<1x256x8xi32>
      %get3A_219 = vector.shape_cast %get3A_218 : vector<1x256x8xi32> to vector<256x8xi32>
      %get3A_220 = arith.constant 3 : index
      %get3A_221 = arith.constant 0 : index
      %get3A_222 = arith.constant 0 : index
      %get3A_223 = vector.load %arg9[%get3A_220, %get3A_221, %get3A_222] : memref<16x256x8xi32, #tpu.memory_space<vmem>>, vector<1x256x8xi32>
      %get3A_224 = vector.shape_cast %get3A_223 : vector<1x256x8xi32> to vector<256x8xi32>
      %get3A_225 = arith.constant 4 : index
      %get3A_226 = arith.constant 0 : index
      %get3A_227 = arith.constant 0 : index
      %get3A_228 = vector.load %arg9[%get3A_225, %get3A_226, %get3A_227] : memref<16x256x8xi32, #tpu.memory_space<vmem>>, vector<1x256x8xi32>
      %get3A_229 = vector.shape_cast %get3A_228 : vector<1x256x8xi32> to vector<256x8xi32>
      %get3A_230 = arith.constant 5 : index
      %get3A_231 = arith.constant 0 : index
      %get3A_232 = arith.constant 0 : index
      %get3A_233 = vector.load %arg9[%get3A_230, %get3A_231, %get3A_232] : memref<16x256x8xi32, #tpu.memory_space<vmem>>, vector<1x256x8xi32>
      %get3A_234 = vector.shape_cast %get3A_233 : vector<1x256x8xi32> to vector<256x8xi32>
      %get3A_235 = arith.constant 6 : index
      %get3A_236 = arith.constant 0 : index
      %get3A_237 = arith.constant 0 : index
      %get3A_238 = vector.load %arg9[%get3A_235, %get3A_236, %get3A_237] : memref<16x256x8xi32, #tpu.memory_space<vmem>>, vector<1x256x8xi32>
      %get3A_239 = vector.shape_cast %get3A_238 : vector<1x256x8xi32> to vector<256x8xi32>
      %get3A_240 = arith.constant 7 : index
      %get3A_241 = arith.constant 0 : index
      %get3A_242 = arith.constant 0 : index
      %get3A_243 = vector.load %arg9[%get3A_240, %get3A_241, %get3A_242] : memref<16x256x8xi32, #tpu.memory_space<vmem>>, vector<1x256x8xi32>
      %get3A_244 = vector.shape_cast %get3A_243 : vector<1x256x8xi32> to vector<256x8xi32>
      %get3A_245 = arith.constant 8 : index
      %get3A_246 = arith.constant 0 : index
      %get3A_247 = arith.constant 0 : index
      %get3A_248 = vector.load %arg9[%get3A_245, %get3A_246, %get3A_247] : memref<16x256x8xi32, #tpu.memory_space<vmem>>, vector<1x256x8xi32>
      %get3A_249 = vector.shape_cast %get3A_248 : vector<1x256x8xi32> to vector<256x8xi32>
      %get3A_250 = arith.constant 9 : index
      %get3A_251 = arith.constant 0 : index
      %get3A_252 = arith.constant 0 : index
      %get3A_253 = vector.load %arg9[%get3A_250, %get3A_251, %get3A_252] : memref<16x256x8xi32, #tpu.memory_space<vmem>>, vector<1x256x8xi32>
      %get3A_254 = vector.shape_cast %get3A_253 : vector<1x256x8xi32> to vector<256x8xi32>
      %get3A_255 = arith.constant 10 : index
      %get3A_256 = arith.constant 0 : index
      %get3A_257 = arith.constant 0 : index
      %get3A_258 = vector.load %arg9[%get3A_255, %get3A_256, %get3A_257] : memref<16x256x8xi32, #tpu.memory_space<vmem>>, vector<1x256x8xi32>
      %get3A_259 = vector.shape_cast %get3A_258 : vector<1x256x8xi32> to vector<256x8xi32>
      %get3A_260 = arith.constant 11 : index
      %get3A_261 = arith.constant 0 : index
      %get3A_262 = arith.constant 0 : index
      %get3A_263 = vector.load %arg9[%get3A_260, %get3A_261, %get3A_262] : memref<16x256x8xi32, #tpu.memory_space<vmem>>, vector<1x256x8xi32>
      %get3A_264 = vector.shape_cast %get3A_263 : vector<1x256x8xi32> to vector<256x8xi32>
      %get3A_265 = arith.constant 12 : index
      %get3A_266 = arith.constant 0 : index
      %get3A_267 = arith.constant 0 : index
      %get3A_268 = vector.load %arg9[%get3A_265, %get3A_266, %get3A_267] : memref<16x256x8xi32, #tpu.memory_space<vmem>>, vector<1x256x8xi32>
      %get3A_269 = vector.shape_cast %get3A_268 : vector<1x256x8xi32> to vector<256x8xi32>
      %get3A_270 = arith.constant 13 : index
      %get3A_271 = arith.constant 0 : index
      %get3A_272 = arith.constant 0 : index
      %get3A_273 = vector.load %arg9[%get3A_270, %get3A_271, %get3A_272] : memref<16x256x8xi32, #tpu.memory_space<vmem>>, vector<1x256x8xi32>
      %get3A_274 = vector.shape_cast %get3A_273 : vector<1x256x8xi32> to vector<256x8xi32>
      %get3A_275 = arith.constant 14 : index
      %get3A_276 = arith.constant 0 : index
      %get3A_277 = arith.constant 0 : index
      %get3A_278 = vector.load %arg9[%get3A_275, %get3A_276, %get3A_277] : memref<16x256x8xi32, #tpu.memory_space<vmem>>, vector<1x256x8xi32>
      %get3A_279 = vector.shape_cast %get3A_278 : vector<1x256x8xi32> to vector<256x8xi32>
      %get3A_280 = arith.constant 15 : index
      %get3A_281 = arith.constant 0 : index
      %get3A_282 = arith.constant 0 : index
      %get3A_283 = vector.load %arg9[%get3A_280, %get3A_281, %get3A_282] : memref<16x256x8xi32, #tpu.memory_space<vmem>>, vector<1x256x8xi32>
      %get3A_284 = vector.shape_cast %get3A_283 : vector<1x256x8xi32> to vector<256x8xi32>
      %concatenate3A_285 = tpu.concatenate %get3A_209, %get3A_214, %get3A_219, %get3A_224, %get3A_229, %get3A_234, %get3A_239, %get3A_244, %get3A_249, %get3A_254, %get3A_259, %get3A_264, %get3A_269, %get3A_274, %get3A_279, %get3A_284 in 1 : vector<256x8xi32>, vector<256x8xi32>, vector<256x8xi32>, vector<256x8xi32>, vector<256x8xi32>, vector<256x8xi32>, vector<256x8xi32>, vector<256x8xi32>, vector<256x8xi32>, vector<256x8xi32>, vector<256x8xi32>, vector<256x8xi32>, vector<256x8xi32>, vector<256x8xi32>, vector<256x8xi32>, vector<256x8xi32> -> vector<256x128xi32>
      %reduce_min3A_286 = arith.constant dense<0x7F800000> : vector<256xf32>
      %reduce_min3A_287 = vector.multi_reduction <minimumf>, %concatenate3A, %reduce_min3A_286 [1] : vector<256x128xf32> to vector<256xf32>
      %broadcast_in_dim3A_288 = vector.shape_cast %reduce_min3A_287 : vector<256xf32> to vector<256x1xf32>
      %eq3A_289 = vector.broadcast %broadcast_in_dim3A_288 : vector<256x1xf32> to vector<256x128xf32>
      %eq3A_290 = arith.cmpf oeq, %concatenate3A, %eq3A_289 : vector<256x128xf32>
      %jit3A_291 = arith.constant 1073741824 : i32
      %broadcast_in_dim3A_292 = vector.broadcast %jit3A_291 : i32 to vector<256x128xi32>
      %select_n3A_293 = arith.select %eq3A_290, %concatenate3A_285, %broadcast_in_dim3A_292 : vector<256x128xi1>, vector<256x128xi32>
      %reduce_min3A_294 = arith.constant dense<2147483647> : vector<256xi32>
      %reduce_min3A_295 = vector.multi_reduction <minsi>, %select_n3A_293, %reduce_min3A_294 [1] : vector<256x128xi32> to vector<256xi32>
      %broadcast_in_dim3A_296 = vector.shape_cast %reduce_min3A_295 : vector<256xi32> to vector<256x1xi32>
      %eq3A_297 = vector.broadcast %broadcast_in_dim3A_296 : vector<256x1xi32> to vector<256x128xi32>
      %eq3A_298 = arith.cmpi eq, %concatenate3A_285, %eq3A_297 : vector<256x128xi32>
      %jit3A_299 = arith.constant 0x7F800000 : f32
      %broadcast_in_dim3A_300 = vector.broadcast %jit3A_299 : f32 to vector<256x128xf32>
      %select_n3A_301 = arith.select %eq3A_298, %broadcast_in_dim3A_300, %concatenate3A : vector<256x128xi1>, vector<256x128xf32>
      %reduce_min3A_302 = arith.constant dense<0x7F800000> : vector<256xf32>
      %reduce_min3A_303 = vector.multi_reduction <minimumf>, %select_n3A_301, %reduce_min3A_302 [1] : vector<256x128xf32> to vector<256xf32>
      %broadcast_in_dim3A_304 = vector.shape_cast %reduce_min3A_303 : vector<256xf32> to vector<256x1xf32>
      %eq3A_305 = vector.broadcast %broadcast_in_dim3A_304 : vector<256x1xf32> to vector<256x128xf32>
      %eq3A_306 = arith.cmpf oeq, %select_n3A_301, %eq3A_305 : vector<256x128xf32>
      %jit3A_307 = arith.constant 1073741824 : i32
      %broadcast_in_dim3A_308 = vector.broadcast %jit3A_307 : i32 to vector<256x128xi32>
      %select_n3A_309 = arith.select %eq3A_306, %concatenate3A_285, %broadcast_in_dim3A_308 : vector<256x128xi1>, vector<256x128xi32>
      %reduce_min3A_310 = arith.constant dense<2147483647> : vector<256xi32>
      %reduce_min3A_311 = vector.multi_reduction <minsi>, %select_n3A_309, %reduce_min3A_310 [1] : vector<256x128xi32> to vector<256xi32>
      %broadcast_in_dim3A_312 = vector.shape_cast %reduce_min3A_311 : vector<256xi32> to vector<256x1xi32>
      %eq3A_313 = vector.broadcast %broadcast_in_dim3A_312 : vector<256x1xi32> to vector<256x128xi32>
      %eq3A_314 = arith.cmpi eq, %concatenate3A_285, %eq3A_313 : vector<256x128xi32>
      %jit3A_315 = arith.constant 0x7F800000 : f32
      %broadcast_in_dim3A_316 = vector.broadcast %jit3A_315 : f32 to vector<256x128xf32>
      %select_n3A_317 = arith.select %eq3A_314, %broadcast_in_dim3A_316, %select_n3A_301 : vector<256x128xi1>, vector<256x128xf32>
      %reduce_min3A_318 = arith.constant dense<0x7F800000> : vector<256xf32>
      %reduce_min3A_319 = vector.multi_reduction <minimumf>, %select_n3A_317, %reduce_min3A_318 [1] : vector<256x128xf32> to vector<256xf32>
      %broadcast_in_dim3A_320 = vector.shape_cast %reduce_min3A_319 : vector<256xf32> to vector<256x1xf32>
      %eq3A_321 = vector.broadcast %broadcast_in_dim3A_320 : vector<256x1xf32> to vector<256x128xf32>
      %eq3A_322 = arith.cmpf oeq, %select_n3A_317, %eq3A_321 : vector<256x128xf32>
      %jit3A_323 = arith.constant 1073741824 : i32
      %broadcast_in_dim3A_324 = vector.broadcast %jit3A_323 : i32 to vector<256x128xi32>
      %select_n3A_325 = arith.select %eq3A_322, %concatenate3A_285, %broadcast_in_dim3A_324 : vector<256x128xi1>, vector<256x128xi32>
      %reduce_min3A_326 = arith.constant dense<2147483647> : vector<256xi32>
      %reduce_min3A_327 = vector.multi_reduction <minsi>, %select_n3A_325, %reduce_min3A_326 [1] : vector<256x128xi32> to vector<256xi32>
      %broadcast_in_dim3A_328 = vector.shape_cast %reduce_min3A_327 : vector<256xi32> to vector<256x1xi32>
      %iota3A_329 = tpu.iota {dimensions = array<i32: 1>} : vector<256x128xi32>
      %eq3A_330 = arith.constant 0 : i32
      %eq3A_331 = vector.broadcast %eq3A_330 : i32 to vector<256x128xi32>
      %eq3A_332 = arith.cmpi eq, %iota3A_329, %eq3A_331 : vector<256x128xi32>
      %eq3A_333 = arith.constant 1 : i32
      %eq3A_334 = vector.broadcast %eq3A_333 : i32 to vector<256x128xi32>
      %eq3A_335 = arith.cmpi eq, %iota3A_329, %eq3A_334 : vector<256x128xi32>
      %eq3A_336 = arith.constant 2 : i32
      %eq3A_337 = vector.broadcast %eq3A_336 : i32 to vector<256x128xi32>
      %eq3A_338 = arith.cmpi eq, %iota3A_329, %eq3A_337 : vector<256x128xi32>
      %jit3A_339 = arith.constant 0x7F800000 : f32
      %broadcast_in_dim3A_340 = vector.shape_cast %broadcast_in_dim3A_320 : vector<256x1xf32> to vector<256x1xf32>
      %broadcast_in_dim3A_341 = vector.broadcast %broadcast_in_dim3A_340 : vector<256x1xf32> to vector<256x128xf32>
      %broadcast_in_dim3A_342 = vector.broadcast %jit3A_339 : f32 to vector<256x128xf32>
      %select_n3A_343 = arith.select %eq3A_338, %broadcast_in_dim3A_341, %broadcast_in_dim3A_342 : vector<256x128xi1>, vector<256x128xf32>
      %broadcast_in_dim3A_344 = vector.shape_cast %broadcast_in_dim3A_304 : vector<256x1xf32> to vector<256x1xf32>
      %broadcast_in_dim3A_345 = vector.broadcast %broadcast_in_dim3A_344 : vector<256x1xf32> to vector<256x128xf32>
      %select_n3A_346 = arith.select %eq3A_335, %broadcast_in_dim3A_345, %select_n3A_343 : vector<256x128xi1>, vector<256x128xf32>
      %broadcast_in_dim3A_347 = vector.shape_cast %broadcast_in_dim3A_288 : vector<256x1xf32> to vector<256x1xf32>
      %broadcast_in_dim3A_348 = vector.broadcast %broadcast_in_dim3A_347 : vector<256x1xf32> to vector<256x128xf32>
      %select_n3A_349 = arith.select %eq3A_332, %broadcast_in_dim3A_348, %select_n3A_346 : vector<256x128xi1>, vector<256x128xf32>
      %swap3A_350 = arith.constant 0 : index
      %swap3A_351 = arith.constant 0 : index
      %swap3A_352 = vector.load %arg5[%swap3A_350, %swap3A_351] : memref<256x128xf32, #tpu.memory_space<vmem>>, vector<256x128xf32>
      tpu.vector_store %arg5[%swap3A_350, %swap3A_351], %select_n3A_349 {strides = array<i32>} : memref<256x128xf32, #tpu.memory_space<vmem>>, vector<256x128xf32>,
      %eq3A_353 = arith.constant 0 : i32
      %eq3A_354 = vector.broadcast %eq3A_353 : i32 to vector<256x128xi32>
      %eq3A_355 = arith.cmpi eq, %iota3A_329, %eq3A_354 : vector<256x128xi32>
      %eq3A_356 = arith.constant 1 : i32
      %eq3A_357 = vector.broadcast %eq3A_356 : i32 to vector<256x128xi32>
      %eq3A_358 = arith.cmpi eq, %iota3A_329, %eq3A_357 : vector<256x128xi32>
      %eq3A_359 = arith.constant 2 : i32
      %eq3A_360 = vector.broadcast %eq3A_359 : i32 to vector<256x128xi32>
      %eq3A_361 = arith.cmpi eq, %iota3A_329, %eq3A_360 : vector<256x128xi32>
      %jit3A_362 = arith.constant 0 : i32
      %broadcast_in_dim3A_363 = vector.shape_cast %broadcast_in_dim3A_328 : vector<256x1xi32> to vector<256x1xi32>
      %broadcast_in_dim3A_364 = vector.broadcast %broadcast_in_dim3A_363 : vector<256x1xi32> to vector<256x128xi32>
      %broadcast_in_dim3A_365 = vector.broadcast %jit3A_362 : i32 to vector<256x128xi32>
      %select_n3A_366 = arith.select %eq3A_361, %broadcast_in_dim3A_364, %broadcast_in_dim3A_365 : vector<256x128xi1>, vector<256x128xi32>
      %broadcast_in_dim3A_367 = vector.shape_cast %broadcast_in_dim3A_312 : vector<256x1xi32> to vector<256x1xi32>
      %broadcast_in_dim3A_368 = vector.broadcast %broadcast_in_dim3A_367 : vector<256x1xi32> to vector<256x128xi32>
      %select_n3A_369 = arith.select %eq3A_358, %broadcast_in_dim3A_368, %select_n3A_366 : vector<256x128xi1>, vector<256x128xi32>
      %broadcast_in_dim3A_370 = vector.shape_cast %broadcast_in_dim3A_296 : vector<256x1xi32> to vector<256x1xi32>
      %broadcast_in_dim3A_371 = vector.broadcast %broadcast_in_dim3A_370 : vector<256x1xi32> to vector<256x128xi32>
      %select_n3A_372 = arith.select %eq3A_355, %broadcast_in_dim3A_371, %select_n3A_369 : vector<256x128xi1>, vector<256x128xi32>
      %swap3A_373 = arith.constant 0 : index
      %swap3A_374 = arith.constant 0 : index
      %swap3A_375 = vector.load %arg6[%swap3A_373, %swap3A_374] : memref<256x128xi32, #tpu.memory_space<vmem>>, vector<256x128xi32>
      tpu.vector_store %arg6[%swap3A_373, %swap3A_374], %select_n3A_372 {strides = array<i32>} : memref<256x128xi32, #tpu.memory_space<vmem>>, vector<256x128xi32>,
      %broadcast_in_dim3A_376 = arith.constant 1.000000e+00 : f32
      %broadcast_in_dim3A_377 = vector.broadcast %broadcast_in_dim3A_376 : f32 to vector<8x256xf32>
      %get3A_378 = arith.constant 0 : index
      %get3A_379 = arith.constant 0 : index
      %get3A_380 = arith.constant 0 : index
      %get3A_381 = vector.load %arg10[%get3A_378, %get3A_379, %get3A_380] : memref<16x256x512xf32, #tpu.memory_space<vmem>>, vector<1x256x512xf32>
      %get3A_382 = vector.shape_cast %get3A_381 : vector<1x256x512xf32> to vector<256x512xf32>
      %le3A = vector.broadcast %broadcast_in_dim3A_320 : vector<256x1xf32> to vector<256x512xf32>
      %le3A_383 = arith.cmpf ole, %get3A_382, %le3A : vector<256x512xf32>
      %jit3A_384 = arith.constant 1.000000e+00 : f32
      %jit3A_385 = arith.constant 0.000000e+00 : f32
      %broadcast_in_dim3A_386 = vector.broadcast %jit3A_384 : f32 to vector<256x512xf32>
      %broadcast_in_dim3A_387 = vector.broadcast %jit3A_385 : f32 to vector<256x512xf32>
      %select_n3A_388 = arith.select %le3A_383, %broadcast_in_dim3A_386, %broadcast_in_dim3A_387 : vector<256x512xi1>, vector<256x512xf32>
      %dot_general3A_389 = arith.constant dense<0.000000e+00> : vector<8x512xf32>
      %dot_general3A_390 = tpu.matmul %broadcast_in_dim3A_377, %select_n3A_388, %dot_general3A_389 {dimension_numbers = #tpu.dot_dimension_numbers<[1], [0], [0], [1], [0, 0, 1, 1], [], []>, transpose_lhs_hint = false} : vector<8x256xf32>, vector<256x512xf32>, vector<8x512xf32> -> vector<8x512xf32>
      %eq3A_391 = arith.constant 0 : i32
      %eq3A_392 = arith.cmpi eq, %arg0, %eq3A_391 : i32
      %get3A_393 = arith.constant 0 : index
      %get3A_394 = arith.constant 0 : index
      %get3A_395 = arith.constant 0 : index
      %get3A_396 = vector.load %arg11[%get3A_393, %get3A_394, %get3A_395] : memref<16x8x512xf32, #tpu.memory_space<vmem>>, vector<1x8x512xf32>
      %get3A_397 = vector.shape_cast %get3A_396 : vector<1x8x512xf32> to vector<8x512xf32>
      %add3A_398 = arith.addf %get3A_397, %dot_general3A_390 : vector<8x512xf32>
      %select_n3A_399 = arith.select %eq3A_392, %dot_general3A_390, %add3A_398 : vector<8x512xf32>
      %swap3A_400 = arith.constant 0 : index
      %swap3A_401 = arith.constant 0 : index
      %swap3A_402 = arith.constant 0 : index
      %swap3A_403 = vector.load %arg11[%swap3A_400, %swap3A_401, %swap3A_402] : memref<16x8x512xf32, #tpu.memory_space<vmem>>, vector<1x8x512xf32>
      %swap3A_404 = vector.shape_cast %swap3A_403 : vector<1x8x512xf32> to vector<8x512xf32>
      %swap3A_405 = vector.shape_cast %select_n3A_399 : vector<8x512xf32> to vector<1x8x512xf32>
      tpu.vector_store %arg11[%swap3A_400, %swap3A_401, %swap3A_402], %swap3A_405 {strides = array<i32>} : memref<16x8x512xf32, #tpu.memory_space<vmem>>, vector<1x8x512xf32>,
      %get3A_406 = arith.constant 1 : index
      %get3A_407 = arith.constant 0 : index
      %get3A_408 = arith.constant 0 : index
      %get3A_409 = vector.load %arg10[%get3A_406, %get3A_407, %get3A_408] : memref<16x256x512xf32, #tpu.memory_space<vmem>>, vector<1x256x512xf32>
      %get3A_410 = vector.shape_cast %get3A_409 : vector<1x256x512xf32> to vector<256x512xf32>
      %le3A_411 = vector.broadcast %broadcast_in_dim3A_320 : vector<256x1xf32> to vector<256x512xf32>
      %le3A_412 = arith.cmpf ole, %get3A_410, %le3A_411 : vector<256x512xf32>
      %jit3A_413 = arith.constant 1.000000e+00 : f32
      %jit3A_414 = arith.constant 0.000000e+00 : f32
      %broadcast_in_dim3A_415 = vector.broadcast %jit3A_413 : f32 to vector<256x512xf32>
      %broadcast_in_dim3A_416 = vector.broadcast %jit3A_414 : f32 to vector<256x512xf32>
      %select_n3A_417 = arith.select %le3A_412, %broadcast_in_dim3A_415, %broadcast_in_dim3A_416 : vector<256x512xi1>, vector<256x512xf32>
      %dot_general3A_418 = arith.constant dense<0.000000e+00> : vector<8x512xf32>
      %dot_general3A_419 = tpu.matmul %broadcast_in_dim3A_377, %select_n3A_417, %dot_general3A_418 {dimension_numbers = #tpu.dot_dimension_numbers<[1], [0], [0], [1], [0, 0, 1, 1], [], []>, transpose_lhs_hint = false} : vector<8x256xf32>, vector<256x512xf32>, vector<8x512xf32> -> vector<8x512xf32>
      %eq3A_420 = arith.constant 0 : i32
      %eq3A_421 = arith.cmpi eq, %arg0, %eq3A_420 : i32
      %get3A_422 = arith.constant 1 : index
      %get3A_423 = arith.constant 0 : index
      %get3A_424 = arith.constant 0 : index
      %get3A_425 = vector.load %arg11[%get3A_422, %get3A_423, %get3A_424] : memref<16x8x512xf32, #tpu.memory_space<vmem>>, vector<1x8x512xf32>
      %get3A_426 = vector.shape_cast %get3A_425 : vector<1x8x512xf32> to vector<8x512xf32>
      %add3A_427 = arith.addf %get3A_426, %dot_general3A_419 : vector<8x512xf32>
      %select_n3A_428 = arith.select %eq3A_421, %dot_general3A_419, %add3A_427 : vector<8x512xf32>
      %swap3A_429 = arith.constant 1 : index
      %swap3A_430 = arith.constant 0 : index
      %swap3A_431 = arith.constant 0 : index
      %swap3A_432 = vector.load %arg11[%swap3A_429, %swap3A_430, %swap3A_431] : memref<16x8x512xf32, #tpu.memory_space<vmem>>, vector<1x8x512xf32>
      %swap3A_433 = vector.shape_cast %swap3A_432 : vector<1x8x512xf32> to vector<8x512xf32>
      %swap3A_434 = vector.shape_cast %select_n3A_428 : vector<8x512xf32> to vector<1x8x512xf32>
      tpu.vector_store %arg11[%swap3A_429, %swap3A_430, %swap3A_431], %swap3A_434 {strides = array<i32>} : memref<16x8x512xf32, #tpu.memory_space<vmem>>, vector<1x8x512xf32>,
      %get3A_435 = arith.constant 2 : index
      %get3A_436 = arith.constant 0 : index
      %get3A_437 = arith.constant 0 : index
      %get3A_438 = vector.load %arg10[%get3A_435, %get3A_436, %get3A_437] : memref<16x256x512xf32, #tpu.memory_space<vmem>>, vector<1x256x512xf32>
      %get3A_439 = vector.shape_cast %get3A_438 : vector<1x256x512xf32> to vector<256x512xf32>
      %le3A_440 = vector.broadcast %broadcast_in_dim3A_320 : vector<256x1xf32> to vector<256x512xf32>
      %le3A_441 = arith.cmpf ole, %get3A_439, %le3A_440 : vector<256x512xf32>
      %jit3A_442 = arith.constant 1.000000e+00 : f32
      %jit3A_443 = arith.constant 0.000000e+00 : f32
      %broadcast_in_dim3A_444 = vector.broadcast %jit3A_442 : f32 to vector<256x512xf32>
      %broadcast_in_dim3A_445 = vector.broadcast %jit3A_443 : f32 to vector<256x512xf32>
      %select_n3A_446 = arith.select %le3A_441, %broadcast_in_dim3A_444, %broadcast_in_dim3A_445 : vector<256x512xi1>, vector<256x512xf32>
      %dot_general3A_447 = arith.constant dense<0.000000e+00> : vector<8x512xf32>
      %dot_general3A_448 = tpu.matmul %broadcast_in_dim3A_377, %select_n3A_446, %dot_general3A_447 {dimension_numbers = #tpu.dot_dimension_numbers<[1], [0], [0], [1], [0, 0, 1, 1], [], []>, transpose_lhs_hint = false} : vector<8x256xf32>, vector<256x512xf32>, vector<8x512xf32> -> vector<8x512xf32>
      %eq3A_449 = arith.constant 0 : i32
      %eq3A_450 = arith.cmpi eq, %arg0, %eq3A_449 : i32
      %get3A_451 = arith.constant 2 : index
      %get3A_452 = arith.constant 0 : index
      %get3A_453 = arith.constant 0 : index
      %get3A_454 = vector.load %arg11[%get3A_451, %get3A_452, %get3A_453] : memref<16x8x512xf32, #tpu.memory_space<vmem>>, vector<1x8x512xf32>
      %get3A_455 = vector.shape_cast %get3A_454 : vector<1x8x512xf32> to vector<8x512xf32>
      %add3A_456 = arith.addf %get3A_455, %dot_general3A_448 : vector<8x512xf32>
      %select_n3A_457 = arith.select %eq3A_450, %dot_general3A_448, %add3A_456 : vector<8x512xf32>
      %swap3A_458 = arith.constant 2 : index
      %swap3A_459 = arith.constant 0 : index
      %swap3A_460 = arith.constant 0 : index
      %swap3A_461 = vector.load %arg11[%swap3A_458, %swap3A_459, %swap3A_460] : memref<16x8x512xf32, #tpu.memory_space<vmem>>, vector<1x8x512xf32>
      %swap3A_462 = vector.shape_cast %swap3A_461 : vector<1x8x512xf32> to vector<8x512xf32>
      %swap3A_463 = vector.shape_cast %select_n3A_457 : vector<8x512xf32> to vector<1x8x512xf32>
      tpu.vector_store %arg11[%swap3A_458, %swap3A_459, %swap3A_460], %swap3A_463 {strides = array<i32>} : memref<16x8x512xf32, #tpu.memory_space<vmem>>, vector<1x8x512xf32>,
      %get3A_464 = arith.constant 3 : index
      %get3A_465 = arith.constant 0 : index
      %get3A_466 = arith.constant 0 : index
      %get3A_467 = vector.load %arg10[%get3A_464, %get3A_465, %get3A_466] : memref<16x256x512xf32, #tpu.memory_space<vmem>>, vector<1x256x512xf32>
      %get3A_468 = vector.shape_cast %get3A_467 : vector<1x256x512xf32> to vector<256x512xf32>
      %le3A_469 = vector.broadcast %broadcast_in_dim3A_320 : vector<256x1xf32> to vector<256x512xf32>
      %le3A_470 = arith.cmpf ole, %get3A_468, %le3A_469 : vector<256x512xf32>
      %jit3A_471 = arith.constant 1.000000e+00 : f32
      %jit3A_472 = arith.constant 0.000000e+00 : f32
      %broadcast_in_dim3A_473 = vector.broadcast %jit3A_471 : f32 to vector<256x512xf32>
      %broadcast_in_dim3A_474 = vector.broadcast %jit3A_472 : f32 to vector<256x512xf32>
      %select_n3A_475 = arith.select %le3A_470, %broadcast_in_dim3A_473, %broadcast_in_dim3A_474 : vector<256x512xi1>, vector<256x512xf32>
      %dot_general3A_476 = arith.constant dense<0.000000e+00> : vector<8x512xf32>
      %dot_general3A_477 = tpu.matmul %broadcast_in_dim3A_377, %select_n3A_475, %dot_general3A_476 {dimension_numbers = #tpu.dot_dimension_numbers<[1], [0], [0], [1], [0, 0, 1, 1], [], []>, transpose_lhs_hint = false} : vector<8x256xf32>, vector<256x512xf32>, vector<8x512xf32> -> vector<8x512xf32>
      %eq3A_478 = arith.constant 0 : i32
      %eq3A_479 = arith.cmpi eq, %arg0, %eq3A_478 : i32
      %get3A_480 = arith.constant 3 : index
      %get3A_481 = arith.constant 0 : index
      %get3A_482 = arith.constant 0 : index
      %get3A_483 = vector.load %arg11[%get3A_480, %get3A_481, %get3A_482] : memref<16x8x512xf32, #tpu.memory_space<vmem>>, vector<1x8x512xf32>
      %get3A_484 = vector.shape_cast %get3A_483 : vector<1x8x512xf32> to vector<8x512xf32>
      %add3A_485 = arith.addf %get3A_484, %dot_general3A_477 : vector<8x512xf32>
      %select_n3A_486 = arith.select %eq3A_479, %dot_general3A_477, %add3A_485 : vector<8x512xf32>
      %swap3A_487 = arith.constant 3 : index
      %swap3A_488 = arith.constant 0 : index
      %swap3A_489 = arith.constant 0 : index
      %swap3A_490 = vector.load %arg11[%swap3A_487, %swap3A_488, %swap3A_489] : memref<16x8x512xf32, #tpu.memory_space<vmem>>, vector<1x8x512xf32>
      %swap3A_491 = vector.shape_cast %swap3A_490 : vector<1x8x512xf32> to vector<8x512xf32>
      %swap3A_492 = vector.shape_cast %select_n3A_486 : vector<8x512xf32> to vector<1x8x512xf32>
      tpu.vector_store %arg11[%swap3A_487, %swap3A_488, %swap3A_489], %swap3A_492 {strides = array<i32>} : memref<16x8x512xf32, #tpu.memory_space<vmem>>, vector<1x8x512xf32>,
      %get3A_493 = arith.constant 4 : index
      %get3A_494 = arith.constant 0 : index
      %get3A_495 = arith.constant 0 : index
      %get3A_496 = vector.load %arg10[%get3A_493, %get3A_494, %get3A_495] : memref<16x256x512xf32, #tpu.memory_space<vmem>>, vector<1x256x512xf32>
      %get3A_497 = vector.shape_cast %get3A_496 : vector<1x256x512xf32> to vector<256x512xf32>
      %le3A_498 = vector.broadcast %broadcast_in_dim3A_320 : vector<256x1xf32> to vector<256x512xf32>
      %le3A_499 = arith.cmpf ole, %get3A_497, %le3A_498 : vector<256x512xf32>
      %jit3A_500 = arith.constant 1.000000e+00 : f32
      %jit3A_501 = arith.constant 0.000000e+00 : f32
      %broadcast_in_dim3A_502 = vector.broadcast %jit3A_500 : f32 to vector<256x512xf32>
      %broadcast_in_dim3A_503 = vector.broadcast %jit3A_501 : f32 to vector<256x512xf32>
      %select_n3A_504 = arith.select %le3A_499, %broadcast_in_dim3A_502, %broadcast_in_dim3A_503 : vector<256x512xi1>, vector<256x512xf32>
      %dot_general3A_505 = arith.constant dense<0.000000e+00> : vector<8x512xf32>
      %dot_general3A_506 = tpu.matmul %broadcast_in_dim3A_377, %select_n3A_504, %dot_general3A_505 {dimension_numbers = #tpu.dot_dimension_numbers<[1], [0], [0], [1], [0, 0, 1, 1], [], []>, transpose_lhs_hint = false} : vector<8x256xf32>, vector<256x512xf32>, vector<8x512xf32> -> vector<8x512xf32>
      %eq3A_507 = arith.constant 0 : i32
      %eq3A_508 = arith.cmpi eq, %arg0, %eq3A_507 : i32
      %get3A_509 = arith.constant 4 : index
      %get3A_510 = arith.constant 0 : index
      %get3A_511 = arith.constant 0 : index
      %get3A_512 = vector.load %arg11[%get3A_509, %get3A_510, %get3A_511] : memref<16x8x512xf32, #tpu.memory_space<vmem>>, vector<1x8x512xf32>
      %get3A_513 = vector.shape_cast %get3A_512 : vector<1x8x512xf32> to vector<8x512xf32>
      %add3A_514 = arith.addf %get3A_513, %dot_general3A_506 : vector<8x512xf32>
      %select_n3A_515 = arith.select %eq3A_508, %dot_general3A_506, %add3A_514 : vector<8x512xf32>
      %swap3A_516 = arith.constant 4 : index
      %swap3A_517 = arith.constant 0 : index
      %swap3A_518 = arith.constant 0 : index
      %swap3A_519 = vector.load %arg11[%swap3A_516, %swap3A_517, %swap3A_518] : memref<16x8x512xf32, #tpu.memory_space<vmem>>, vector<1x8x512xf32>
      %swap3A_520 = vector.shape_cast %swap3A_519 : vector<1x8x512xf32> to vector<8x512xf32>
      %swap3A_521 = vector.shape_cast %select_n3A_515 : vector<8x512xf32> to vector<1x8x512xf32>
      tpu.vector_store %arg11[%swap3A_516, %swap3A_517, %swap3A_518], %swap3A_521 {strides = array<i32>} : memref<16x8x512xf32, #tpu.memory_space<vmem>>, vector<1x8x512xf32>,
      %get3A_522 = arith.constant 5 : index
      %get3A_523 = arith.constant 0 : index
      %get3A_524 = arith.constant 0 : index
      %get3A_525 = vector.load %arg10[%get3A_522, %get3A_523, %get3A_524] : memref<16x256x512xf32, #tpu.memory_space<vmem>>, vector<1x256x512xf32>
      %get3A_526 = vector.shape_cast %get3A_525 : vector<1x256x512xf32> to vector<256x512xf32>
      %le3A_527 = vector.broadcast %broadcast_in_dim3A_320 : vector<256x1xf32> to vector<256x512xf32>
      %le3A_528 = arith.cmpf ole, %get3A_526, %le3A_527 : vector<256x512xf32>
      %jit3A_529 = arith.constant 1.000000e+00 : f32
      %jit3A_530 = arith.constant 0.000000e+00 : f32
      %broadcast_in_dim3A_531 = vector.broadcast %jit3A_529 : f32 to vector<256x512xf32>
      %broadcast_in_dim3A_532 = vector.broadcast %jit3A_530 : f32 to vector<256x512xf32>
      %select_n3A_533 = arith.select %le3A_528, %broadcast_in_dim3A_531, %broadcast_in_dim3A_532 : vector<256x512xi1>, vector<256x512xf32>
      %dot_general3A_534 = arith.constant dense<0.000000e+00> : vector<8x512xf32>
      %dot_general3A_535 = tpu.matmul %broadcast_in_dim3A_377, %select_n3A_533, %dot_general3A_534 {dimension_numbers = #tpu.dot_dimension_numbers<[1], [0], [0], [1], [0, 0, 1, 1], [], []>, transpose_lhs_hint = false} : vector<8x256xf32>, vector<256x512xf32>, vector<8x512xf32> -> vector<8x512xf32>
      %eq3A_536 = arith.constant 0 : i32
      %eq3A_537 = arith.cmpi eq, %arg0, %eq3A_536 : i32
      %get3A_538 = arith.constant 5 : index
      %get3A_539 = arith.constant 0 : index
      %get3A_540 = arith.constant 0 : index
      %get3A_541 = vector.load %arg11[%get3A_538, %get3A_539, %get3A_540] : memref<16x8x512xf32, #tpu.memory_space<vmem>>, vector<1x8x512xf32>
      %get3A_542 = vector.shape_cast %get3A_541 : vector<1x8x512xf32> to vector<8x512xf32>
      %add3A_543 = arith.addf %get3A_542, %dot_general3A_535 : vector<8x512xf32>
      %select_n3A_544 = arith.select %eq3A_537, %dot_general3A_535, %add3A_543 : vector<8x512xf32>
      %swap3A_545 = arith.constant 5 : index
      %swap3A_546 = arith.constant 0 : index
      %swap3A_547 = arith.constant 0 : index
      %swap3A_548 = vector.load %arg11[%swap3A_545, %swap3A_546, %swap3A_547] : memref<16x8x512xf32, #tpu.memory_space<vmem>>, vector<1x8x512xf32>
      %swap3A_549 = vector.shape_cast %swap3A_548 : vector<1x8x512xf32> to vector<8x512xf32>
      %swap3A_550 = vector.shape_cast %select_n3A_544 : vector<8x512xf32> to vector<1x8x512xf32>
      tpu.vector_store %arg11[%swap3A_545, %swap3A_546, %swap3A_547], %swap3A_550 {strides = array<i32>} : memref<16x8x512xf32, #tpu.memory_space<vmem>>, vector<1x8x512xf32>,
      %get3A_551 = arith.constant 6 : index
      %get3A_552 = arith.constant 0 : index
      %get3A_553 = arith.constant 0 : index
      %get3A_554 = vector.load %arg10[%get3A_551, %get3A_552, %get3A_553] : memref<16x256x512xf32, #tpu.memory_space<vmem>>, vector<1x256x512xf32>
      %get3A_555 = vector.shape_cast %get3A_554 : vector<1x256x512xf32> to vector<256x512xf32>
      %le3A_556 = vector.broadcast %broadcast_in_dim3A_320 : vector<256x1xf32> to vector<256x512xf32>
      %le3A_557 = arith.cmpf ole, %get3A_555, %le3A_556 : vector<256x512xf32>
      %jit3A_558 = arith.constant 1.000000e+00 : f32
      %jit3A_559 = arith.constant 0.000000e+00 : f32
      %broadcast_in_dim3A_560 = vector.broadcast %jit3A_558 : f32 to vector<256x512xf32>
      %broadcast_in_dim3A_561 = vector.broadcast %jit3A_559 : f32 to vector<256x512xf32>
      %select_n3A_562 = arith.select %le3A_557, %broadcast_in_dim3A_560, %broadcast_in_dim3A_561 : vector<256x512xi1>, vector<256x512xf32>
      %dot_general3A_563 = arith.constant dense<0.000000e+00> : vector<8x512xf32>
      %dot_general3A_564 = tpu.matmul %broadcast_in_dim3A_377, %select_n3A_562, %dot_general3A_563 {dimension_numbers = #tpu.dot_dimension_numbers<[1], [0], [0], [1], [0, 0, 1, 1], [], []>, transpose_lhs_hint = false} : vector<8x256xf32>, vector<256x512xf32>, vector<8x512xf32> -> vector<8x512xf32>
      %eq3A_565 = arith.constant 0 : i32
      %eq3A_566 = arith.cmpi eq, %arg0, %eq3A_565 : i32
      %get3A_567 = arith.constant 6 : index
      %get3A_568 = arith.constant 0 : index
      %get3A_569 = arith.constant 0 : index
      %get3A_570 = vector.load %arg11[%get3A_567, %get3A_568, %get3A_569] : memref<16x8x512xf32, #tpu.memory_space<vmem>>, vector<1x8x512xf32>
      %get3A_571 = vector.shape_cast %get3A_570 : vector<1x8x512xf32> to vector<8x512xf32>
      %add3A_572 = arith.addf %get3A_571, %dot_general3A_564 : vector<8x512xf32>
      %select_n3A_573 = arith.select %eq3A_566, %dot_general3A_564, %add3A_572 : vector<8x512xf32>
      %swap3A_574 = arith.constant 6 : index
      %swap3A_575 = arith.constant 0 : index
      %swap3A_576 = arith.constant 0 : index
      %swap3A_577 = vector.load %arg11[%swap3A_574, %swap3A_575, %swap3A_576] : memref<16x8x512xf32, #tpu.memory_space<vmem>>, vector<1x8x512xf32>
      %swap3A_578 = vector.shape_cast %swap3A_577 : vector<1x8x512xf32> to vector<8x512xf32>
      %swap3A_579 = vector.shape_cast %select_n3A_573 : vector<8x512xf32> to vector<1x8x512xf32>
      tpu.vector_store %arg11[%swap3A_574, %swap3A_575, %swap3A_576], %swap3A_579 {strides = array<i32>} : memref<16x8x512xf32, #tpu.memory_space<vmem>>, vector<1x8x512xf32>,
      %get3A_580 = arith.constant 7 : index
      %get3A_581 = arith.constant 0 : index
      %get3A_582 = arith.constant 0 : index
      %get3A_583 = vector.load %arg10[%get3A_580, %get3A_581, %get3A_582] : memref<16x256x512xf32, #tpu.memory_space<vmem>>, vector<1x256x512xf32>
      %get3A_584 = vector.shape_cast %get3A_583 : vector<1x256x512xf32> to vector<256x512xf32>
      %le3A_585 = vector.broadcast %broadcast_in_dim3A_320 : vector<256x1xf32> to vector<256x512xf32>
      %le3A_586 = arith.cmpf ole, %get3A_584, %le3A_585 : vector<256x512xf32>
      %jit3A_587 = arith.constant 1.000000e+00 : f32
      %jit3A_588 = arith.constant 0.000000e+00 : f32
      %broadcast_in_dim3A_589 = vector.broadcast %jit3A_587 : f32 to vector<256x512xf32>
      %broadcast_in_dim3A_590 = vector.broadcast %jit3A_588 : f32 to vector<256x512xf32>
      %select_n3A_591 = arith.select %le3A_586, %broadcast_in_dim3A_589, %broadcast_in_dim3A_590 : vector<256x512xi1>, vector<256x512xf32>
      %dot_general3A_592 = arith.constant dense<0.000000e+00> : vector<8x512xf32>
      %dot_general3A_593 = tpu.matmul %broadcast_in_dim3A_377, %select_n3A_591, %dot_general3A_592 {dimension_numbers = #tpu.dot_dimension_numbers<[1], [0], [0], [1], [0, 0, 1, 1], [], []>, transpose_lhs_hint = false} : vector<8x256xf32>, vector<256x512xf32>, vector<8x512xf32> -> vector<8x512xf32>
      %eq3A_594 = arith.constant 0 : i32
      %eq3A_595 = arith.cmpi eq, %arg0, %eq3A_594 : i32
      %get3A_596 = arith.constant 7 : index
      %get3A_597 = arith.constant 0 : index
      %get3A_598 = arith.constant 0 : index
      %get3A_599 = vector.load %arg11[%get3A_596, %get3A_597, %get3A_598] : memref<16x8x512xf32, #tpu.memory_space<vmem>>, vector<1x8x512xf32>
      %get3A_600 = vector.shape_cast %get3A_599 : vector<1x8x512xf32> to vector<8x512xf32>
      %add3A_601 = arith.addf %get3A_600, %dot_general3A_593 : vector<8x512xf32>
      %select_n3A_602 = arith.select %eq3A_595, %dot_general3A_593, %add3A_601 : vector<8x512xf32>
      %swap3A_603 = arith.constant 7 : index
      %swap3A_604 = arith.constant 0 : index
      %swap3A_605 = arith.constant 0 : index
      %swap3A_606 = vector.load %arg11[%swap3A_603, %swap3A_604, %swap3A_605] : memref<16x8x512xf32, #tpu.memory_space<vmem>>, vector<1x8x512xf32>
      %swap3A_607 = vector.shape_cast %swap3A_606 : vector<1x8x512xf32> to vector<8x512xf32>
      %swap3A_608 = vector.shape_cast %select_n3A_602 : vector<8x512xf32> to vector<1x8x512xf32>
      tpu.vector_store %arg11[%swap3A_603, %swap3A_604, %swap3A_605], %swap3A_608 {strides = array<i32>} : memref<16x8x512xf32, #tpu.memory_space<vmem>>, vector<1x8x512xf32>,
      %get3A_609 = arith.constant 8 : index
      %get3A_610 = arith.constant 0 : index
      %get3A_611 = arith.constant 0 : index
      %get3A_612 = vector.load %arg10[%get3A_609, %get3A_610, %get3A_611] : memref<16x256x512xf32, #tpu.memory_space<vmem>>, vector<1x256x512xf32>
      %get3A_613 = vector.shape_cast %get3A_612 : vector<1x256x512xf32> to vector<256x512xf32>
      %le3A_614 = vector.broadcast %broadcast_in_dim3A_320 : vector<256x1xf32> to vector<256x512xf32>
      %le3A_615 = arith.cmpf ole, %get3A_613, %le3A_614 : vector<256x512xf32>
      %jit3A_616 = arith.constant 1.000000e+00 : f32
      %jit3A_617 = arith.constant 0.000000e+00 : f32
      %broadcast_in_dim3A_618 = vector.broadcast %jit3A_616 : f32 to vector<256x512xf32>
      %broadcast_in_dim3A_619 = vector.broadcast %jit3A_617 : f32 to vector<256x512xf32>
      %select_n3A_620 = arith.select %le3A_615, %broadcast_in_dim3A_618, %broadcast_in_dim3A_619 : vector<256x512xi1>, vector<256x512xf32>
      %dot_general3A_621 = arith.constant dense<0.000000e+00> : vector<8x512xf32>
      %dot_general3A_622 = tpu.matmul %broadcast_in_dim3A_377, %select_n3A_620, %dot_general3A_621 {dimension_numbers = #tpu.dot_dimension_numbers<[1], [0], [0], [1], [0, 0, 1, 1], [], []>, transpose_lhs_hint = false} : vector<8x256xf32>, vector<256x512xf32>, vector<8x512xf32> -> vector<8x512xf32>
      %eq3A_623 = arith.constant 0 : i32
      %eq3A_624 = arith.cmpi eq, %arg0, %eq3A_623 : i32
      %get3A_625 = arith.constant 8 : index
      %get3A_626 = arith.constant 0 : index
      %get3A_627 = arith.constant 0 : index
      %get3A_628 = vector.load %arg11[%get3A_625, %get3A_626, %get3A_627] : memref<16x8x512xf32, #tpu.memory_space<vmem>>, vector<1x8x512xf32>
      %get3A_629 = vector.shape_cast %get3A_628 : vector<1x8x512xf32> to vector<8x512xf32>
      %add3A_630 = arith.addf %get3A_629, %dot_general3A_622 : vector<8x512xf32>
      %select_n3A_631 = arith.select %eq3A_624, %dot_general3A_622, %add3A_630 : vector<8x512xf32>
      %swap3A_632 = arith.constant 8 : index
      %swap3A_633 = arith.constant 0 : index
      %swap3A_634 = arith.constant 0 : index
      %swap3A_635 = vector.load %arg11[%swap3A_632, %swap3A_633, %swap3A_634] : memref<16x8x512xf32, #tpu.memory_space<vmem>>, vector<1x8x512xf32>
      %swap3A_636 = vector.shape_cast %swap3A_635 : vector<1x8x512xf32> to vector<8x512xf32>
      %swap3A_637 = vector.shape_cast %select_n3A_631 : vector<8x512xf32> to vector<1x8x512xf32>
      tpu.vector_store %arg11[%swap3A_632, %swap3A_633, %swap3A_634], %swap3A_637 {strides = array<i32>} : memref<16x8x512xf32, #tpu.memory_space<vmem>>, vector<1x8x512xf32>,
      %get3A_638 = arith.constant 9 : index
      %get3A_639 = arith.constant 0 : index
      %get3A_640 = arith.constant 0 : index
      %get3A_641 = vector.load %arg10[%get3A_638, %get3A_639, %get3A_640] : memref<16x256x512xf32, #tpu.memory_space<vmem>>, vector<1x256x512xf32>
      %get3A_642 = vector.shape_cast %get3A_641 : vector<1x256x512xf32> to vector<256x512xf32>
      %le3A_643 = vector.broadcast %broadcast_in_dim3A_320 : vector<256x1xf32> to vector<256x512xf32>
      %le3A_644 = arith.cmpf ole, %get3A_642, %le3A_643 : vector<256x512xf32>
      %jit3A_645 = arith.constant 1.000000e+00 : f32
      %jit3A_646 = arith.constant 0.000000e+00 : f32
      %broadcast_in_dim3A_647 = vector.broadcast %jit3A_645 : f32 to vector<256x512xf32>
      %broadcast_in_dim3A_648 = vector.broadcast %jit3A_646 : f32 to vector<256x512xf32>
      %select_n3A_649 = arith.select %le3A_644, %broadcast_in_dim3A_647, %broadcast_in_dim3A_648 : vector<256x512xi1>, vector<256x512xf32>
      %dot_general3A_650 = arith.constant dense<0.000000e+00> : vector<8x512xf32>
      %dot_general3A_651 = tpu.matmul %broadcast_in_dim3A_377, %select_n3A_649, %dot_general3A_650 {dimension_numbers = #tpu.dot_dimension_numbers<[1], [0], [0], [1], [0, 0, 1, 1], [], []>, transpose_lhs_hint = false} : vector<8x256xf32>, vector<256x512xf32>, vector<8x512xf32> -> vector<8x512xf32>
      %eq3A_652 = arith.constant 0 : i32
      %eq3A_653 = arith.cmpi eq, %arg0, %eq3A_652 : i32
      %get3A_654 = arith.constant 9 : index
      %get3A_655 = arith.constant 0 : index
      %get3A_656 = arith.constant 0 : index
      %get3A_657 = vector.load %arg11[%get3A_654, %get3A_655, %get3A_656] : memref<16x8x512xf32, #tpu.memory_space<vmem>>, vector<1x8x512xf32>
      %get3A_658 = vector.shape_cast %get3A_657 : vector<1x8x512xf32> to vector<8x512xf32>
      %add3A_659 = arith.addf %get3A_658, %dot_general3A_651 : vector<8x512xf32>
      %select_n3A_660 = arith.select %eq3A_653, %dot_general3A_651, %add3A_659 : vector<8x512xf32>
      %swap3A_661 = arith.constant 9 : index
      %swap3A_662 = arith.constant 0 : index
      %swap3A_663 = arith.constant 0 : index
      %swap3A_664 = vector.load %arg11[%swap3A_661, %swap3A_662, %swap3A_663] : memref<16x8x512xf32, #tpu.memory_space<vmem>>, vector<1x8x512xf32>
      %swap3A_665 = vector.shape_cast %swap3A_664 : vector<1x8x512xf32> to vector<8x512xf32>
      %swap3A_666 = vector.shape_cast %select_n3A_660 : vector<8x512xf32> to vector<1x8x512xf32>
      tpu.vector_store %arg11[%swap3A_661, %swap3A_662, %swap3A_663], %swap3A_666 {strides = array<i32>} : memref<16x8x512xf32, #tpu.memory_space<vmem>>, vector<1x8x512xf32>,
      %get3A_667 = arith.constant 10 : index
      %get3A_668 = arith.constant 0 : index
      %get3A_669 = arith.constant 0 : index
      %get3A_670 = vector.load %arg10[%get3A_667, %get3A_668, %get3A_669] : memref<16x256x512xf32, #tpu.memory_space<vmem>>, vector<1x256x512xf32>
      %get3A_671 = vector.shape_cast %get3A_670 : vector<1x256x512xf32> to vector<256x512xf32>
      %le3A_672 = vector.broadcast %broadcast_in_dim3A_320 : vector<256x1xf32> to vector<256x512xf32>
      %le3A_673 = arith.cmpf ole, %get3A_671, %le3A_672 : vector<256x512xf32>
      %jit3A_674 = arith.constant 1.000000e+00 : f32
      %jit3A_675 = arith.constant 0.000000e+00 : f32
      %broadcast_in_dim3A_676 = vector.broadcast %jit3A_674 : f32 to vector<256x512xf32>
      %broadcast_in_dim3A_677 = vector.broadcast %jit3A_675 : f32 to vector<256x512xf32>
      %select_n3A_678 = arith.select %le3A_673, %broadcast_in_dim3A_676, %broadcast_in_dim3A_677 : vector<256x512xi1>, vector<256x512xf32>
      %dot_general3A_679 = arith.constant dense<0.000000e+00> : vector<8x512xf32>
      %dot_general3A_680 = tpu.matmul %broadcast_in_dim3A_377, %select_n3A_678, %dot_general3A_679 {dimension_numbers = #tpu.dot_dimension_numbers<[1], [0], [0], [1], [0, 0, 1, 1], [], []>, transpose_lhs_hint = false} : vector<8x256xf32>, vector<256x512xf32>, vector<8x512xf32> -> vector<8x512xf32>
      %eq3A_681 = arith.constant 0 : i32
      %eq3A_682 = arith.cmpi eq, %arg0, %eq3A_681 : i32
      %get3A_683 = arith.constant 10 : index
      %get3A_684 = arith.constant 0 : index
      %get3A_685 = arith.constant 0 : index
      %get3A_686 = vector.load %arg11[%get3A_683, %get3A_684, %get3A_685] : memref<16x8x512xf32, #tpu.memory_space<vmem>>, vector<1x8x512xf32>
      %get3A_687 = vector.shape_cast %get3A_686 : vector<1x8x512xf32> to vector<8x512xf32>
      %add3A_688 = arith.addf %get3A_687, %dot_general3A_680 : vector<8x512xf32>
      %select_n3A_689 = arith.select %eq3A_682, %dot_general3A_680, %add3A_688 : vector<8x512xf32>
      %swap3A_690 = arith.constant 10 : index
      %swap3A_691 = arith.constant 0 : index
      %swap3A_692 = arith.constant 0 : index
      %swap3A_693 = vector.load %arg11[%swap3A_690, %swap3A_691, %swap3A_692] : memref<16x8x512xf32, #tpu.memory_space<vmem>>, vector<1x8x512xf32>
      %swap3A_694 = vector.shape_cast %swap3A_693 : vector<1x8x512xf32> to vector<8x512xf32>
      %swap3A_695 = vector.shape_cast %select_n3A_689 : vector<8x512xf32> to vector<1x8x512xf32>
      tpu.vector_store %arg11[%swap3A_690, %swap3A_691, %swap3A_692], %swap3A_695 {strides = array<i32>} : memref<16x8x512xf32, #tpu.memory_space<vmem>>, vector<1x8x512xf32>,
      %get3A_696 = arith.constant 11 : index
      %get3A_697 = arith.constant 0 : index
      %get3A_698 = arith.constant 0 : index
      %get3A_699 = vector.load %arg10[%get3A_696, %get3A_697, %get3A_698] : memref<16x256x512xf32, #tpu.memory_space<vmem>>, vector<1x256x512xf32>
      %get3A_700 = vector.shape_cast %get3A_699 : vector<1x256x512xf32> to vector<256x512xf32>
      %le3A_701 = vector.broadcast %broadcast_in_dim3A_320 : vector<256x1xf32> to vector<256x512xf32>
      %le3A_702 = arith.cmpf ole, %get3A_700, %le3A_701 : vector<256x512xf32>
      %jit3A_703 = arith.constant 1.000000e+00 : f32
      %jit3A_704 = arith.constant 0.000000e+00 : f32
      %broadcast_in_dim3A_705 = vector.broadcast %jit3A_703 : f32 to vector<256x512xf32>
      %broadcast_in_dim3A_706 = vector.broadcast %jit3A_704 : f32 to vector<256x512xf32>
      %select_n3A_707 = arith.select %le3A_702, %broadcast_in_dim3A_705, %broadcast_in_dim3A_706 : vector<256x512xi1>, vector<256x512xf32>
      %dot_general3A_708 = arith.constant dense<0.000000e+00> : vector<8x512xf32>
      %dot_general3A_709 = tpu.matmul %broadcast_in_dim3A_377, %select_n3A_707, %dot_general3A_708 {dimension_numbers = #tpu.dot_dimension_numbers<[1], [0], [0], [1], [0, 0, 1, 1], [], []>, transpose_lhs_hint = false} : vector<8x256xf32>, vector<256x512xf32>, vector<8x512xf32> -> vector<8x512xf32>
      %eq3A_710 = arith.constant 0 : i32
      %eq3A_711 = arith.cmpi eq, %arg0, %eq3A_710 : i32
      %get3A_712 = arith.constant 11 : index
      %get3A_713 = arith.constant 0 : index
      %get3A_714 = arith.constant 0 : index
      %get3A_715 = vector.load %arg11[%get3A_712, %get3A_713, %get3A_714] : memref<16x8x512xf32, #tpu.memory_space<vmem>>, vector<1x8x512xf32>
      %get3A_716 = vector.shape_cast %get3A_715 : vector<1x8x512xf32> to vector<8x512xf32>
      %add3A_717 = arith.addf %get3A_716, %dot_general3A_709 : vector<8x512xf32>
      %select_n3A_718 = arith.select %eq3A_711, %dot_general3A_709, %add3A_717 : vector<8x512xf32>
      %swap3A_719 = arith.constant 11 : index
      %swap3A_720 = arith.constant 0 : index
      %swap3A_721 = arith.constant 0 : index
      %swap3A_722 = vector.load %arg11[%swap3A_719, %swap3A_720, %swap3A_721] : memref<16x8x512xf32, #tpu.memory_space<vmem>>, vector<1x8x512xf32>
      %swap3A_723 = vector.shape_cast %swap3A_722 : vector<1x8x512xf32> to vector<8x512xf32>
      %swap3A_724 = vector.shape_cast %select_n3A_718 : vector<8x512xf32> to vector<1x8x512xf32>
      tpu.vector_store %arg11[%swap3A_719, %swap3A_720, %swap3A_721], %swap3A_724 {strides = array<i32>} : memref<16x8x512xf32, #tpu.memory_space<vmem>>, vector<1x8x512xf32>,
      %get3A_725 = arith.constant 12 : index
      %get3A_726 = arith.constant 0 : index
      %get3A_727 = arith.constant 0 : index
      %get3A_728 = vector.load %arg10[%get3A_725, %get3A_726, %get3A_727] : memref<16x256x512xf32, #tpu.memory_space<vmem>>, vector<1x256x512xf32>
      %get3A_729 = vector.shape_cast %get3A_728 : vector<1x256x512xf32> to vector<256x512xf32>
      %le3A_730 = vector.broadcast %broadcast_in_dim3A_320 : vector<256x1xf32> to vector<256x512xf32>
      %le3A_731 = arith.cmpf ole, %get3A_729, %le3A_730 : vector<256x512xf32>
      %jit3A_732 = arith.constant 1.000000e+00 : f32
      %jit3A_733 = arith.constant 0.000000e+00 : f32
      %broadcast_in_dim3A_734 = vector.broadcast %jit3A_732 : f32 to vector<256x512xf32>
      %broadcast_in_dim3A_735 = vector.broadcast %jit3A_733 : f32 to vector<256x512xf32>
      %select_n3A_736 = arith.select %le3A_731, %broadcast_in_dim3A_734, %broadcast_in_dim3A_735 : vector<256x512xi1>, vector<256x512xf32>
      %dot_general3A_737 = arith.constant dense<0.000000e+00> : vector<8x512xf32>
      %dot_general3A_738 = tpu.matmul %broadcast_in_dim3A_377, %select_n3A_736, %dot_general3A_737 {dimension_numbers = #tpu.dot_dimension_numbers<[1], [0], [0], [1], [0, 0, 1, 1], [], []>, transpose_lhs_hint = false} : vector<8x256xf32>, vector<256x512xf32>, vector<8x512xf32> -> vector<8x512xf32>
      %eq3A_739 = arith.constant 0 : i32
      %eq3A_740 = arith.cmpi eq, %arg0, %eq3A_739 : i32
      %get3A_741 = arith.constant 12 : index
      %get3A_742 = arith.constant 0 : index
      %get3A_743 = arith.constant 0 : index
      %get3A_744 = vector.load %arg11[%get3A_741, %get3A_742, %get3A_743] : memref<16x8x512xf32, #tpu.memory_space<vmem>>, vector<1x8x512xf32>
      %get3A_745 = vector.shape_cast %get3A_744 : vector<1x8x512xf32> to vector<8x512xf32>
      %add3A_746 = arith.addf %get3A_745, %dot_general3A_738 : vector<8x512xf32>
      %select_n3A_747 = arith.select %eq3A_740, %dot_general3A_738, %add3A_746 : vector<8x512xf32>
      %swap3A_748 = arith.constant 12 : index
      %swap3A_749 = arith.constant 0 : index
      %swap3A_750 = arith.constant 0 : index
      %swap3A_751 = vector.load %arg11[%swap3A_748, %swap3A_749, %swap3A_750] : memref<16x8x512xf32, #tpu.memory_space<vmem>>, vector<1x8x512xf32>
      %swap3A_752 = vector.shape_cast %swap3A_751 : vector<1x8x512xf32> to vector<8x512xf32>
      %swap3A_753 = vector.shape_cast %select_n3A_747 : vector<8x512xf32> to vector<1x8x512xf32>
      tpu.vector_store %arg11[%swap3A_748, %swap3A_749, %swap3A_750], %swap3A_753 {strides = array<i32>} : memref<16x8x512xf32, #tpu.memory_space<vmem>>, vector<1x8x512xf32>,
      %get3A_754 = arith.constant 13 : index
      %get3A_755 = arith.constant 0 : index
      %get3A_756 = arith.constant 0 : index
      %get3A_757 = vector.load %arg10[%get3A_754, %get3A_755, %get3A_756] : memref<16x256x512xf32, #tpu.memory_space<vmem>>, vector<1x256x512xf32>
      %get3A_758 = vector.shape_cast %get3A_757 : vector<1x256x512xf32> to vector<256x512xf32>
      %le3A_759 = vector.broadcast %broadcast_in_dim3A_320 : vector<256x1xf32> to vector<256x512xf32>
      %le3A_760 = arith.cmpf ole, %get3A_758, %le3A_759 : vector<256x512xf32>
      %jit3A_761 = arith.constant 1.000000e+00 : f32
      %jit3A_762 = arith.constant 0.000000e+00 : f32
      %broadcast_in_dim3A_763 = vector.broadcast %jit3A_761 : f32 to vector<256x512xf32>
      %broadcast_in_dim3A_764 = vector.broadcast %jit3A_762 : f32 to vector<256x512xf32>
      %select_n3A_765 = arith.select %le3A_760, %broadcast_in_dim3A_763, %broadcast_in_dim3A_764 : vector<256x512xi1>, vector<256x512xf32>
      %dot_general3A_766 = arith.constant dense<0.000000e+00> : vector<8x512xf32>
      %dot_general3A_767 = tpu.matmul %broadcast_in_dim3A_377, %select_n3A_765, %dot_general3A_766 {dimension_numbers = #tpu.dot_dimension_numbers<[1], [0], [0], [1], [0, 0, 1, 1], [], []>, transpose_lhs_hint = false} : vector<8x256xf32>, vector<256x512xf32>, vector<8x512xf32> -> vector<8x512xf32>
      %eq3A_768 = arith.constant 0 : i32
      %eq3A_769 = arith.cmpi eq, %arg0, %eq3A_768 : i32
      %get3A_770 = arith.constant 13 : index
      %get3A_771 = arith.constant 0 : index
      %get3A_772 = arith.constant 0 : index
      %get3A_773 = vector.load %arg11[%get3A_770, %get3A_771, %get3A_772] : memref<16x8x512xf32, #tpu.memory_space<vmem>>, vector<1x8x512xf32>
      %get3A_774 = vector.shape_cast %get3A_773 : vector<1x8x512xf32> to vector<8x512xf32>
      %add3A_775 = arith.addf %get3A_774, %dot_general3A_767 : vector<8x512xf32>
      %select_n3A_776 = arith.select %eq3A_769, %dot_general3A_767, %add3A_775 : vector<8x512xf32>
      %swap3A_777 = arith.constant 13 : index
      %swap3A_778 = arith.constant 0 : index
      %swap3A_779 = arith.constant 0 : index
      %swap3A_780 = vector.load %arg11[%swap3A_777, %swap3A_778, %swap3A_779] : memref<16x8x512xf32, #tpu.memory_space<vmem>>, vector<1x8x512xf32>
      %swap3A_781 = vector.shape_cast %swap3A_780 : vector<1x8x512xf32> to vector<8x512xf32>
      %swap3A_782 = vector.shape_cast %select_n3A_776 : vector<8x512xf32> to vector<1x8x512xf32>
      tpu.vector_store %arg11[%swap3A_777, %swap3A_778, %swap3A_779], %swap3A_782 {strides = array<i32>} : memref<16x8x512xf32, #tpu.memory_space<vmem>>, vector<1x8x512xf32>,
      %get3A_783 = arith.constant 14 : index
      %get3A_784 = arith.constant 0 : index
      %get3A_785 = arith.constant 0 : index
      %get3A_786 = vector.load %arg10[%get3A_783, %get3A_784, %get3A_785] : memref<16x256x512xf32, #tpu.memory_space<vmem>>, vector<1x256x512xf32>
      %get3A_787 = vector.shape_cast %get3A_786 : vector<1x256x512xf32> to vector<256x512xf32>
      %le3A_788 = vector.broadcast %broadcast_in_dim3A_320 : vector<256x1xf32> to vector<256x512xf32>
      %le3A_789 = arith.cmpf ole, %get3A_787, %le3A_788 : vector<256x512xf32>
      %jit3A_790 = arith.constant 1.000000e+00 : f32
      %jit3A_791 = arith.constant 0.000000e+00 : f32
      %broadcast_in_dim3A_792 = vector.broadcast %jit3A_790 : f32 to vector<256x512xf32>
      %broadcast_in_dim3A_793 = vector.broadcast %jit3A_791 : f32 to vector<256x512xf32>
      %select_n3A_794 = arith.select %le3A_789, %broadcast_in_dim3A_792, %broadcast_in_dim3A_793 : vector<256x512xi1>, vector<256x512xf32>
      %dot_general3A_795 = arith.constant dense<0.000000e+00> : vector<8x512xf32>
      %dot_general3A_796 = tpu.matmul %broadcast_in_dim3A_377, %select_n3A_794, %dot_general3A_795 {dimension_numbers = #tpu.dot_dimension_numbers<[1], [0], [0], [1], [0, 0, 1, 1], [], []>, transpose_lhs_hint = false} : vector<8x256xf32>, vector<256x512xf32>, vector<8x512xf32> -> vector<8x512xf32>
      %eq3A_797 = arith.constant 0 : i32
      %eq3A_798 = arith.cmpi eq, %arg0, %eq3A_797 : i32
      %get3A_799 = arith.constant 14 : index
      %get3A_800 = arith.constant 0 : index
      %get3A_801 = arith.constant 0 : index
      %get3A_802 = vector.load %arg11[%get3A_799, %get3A_800, %get3A_801] : memref<16x8x512xf32, #tpu.memory_space<vmem>>, vector<1x8x512xf32>
      %get3A_803 = vector.shape_cast %get3A_802 : vector<1x8x512xf32> to vector<8x512xf32>
      %add3A_804 = arith.addf %get3A_803, %dot_general3A_796 : vector<8x512xf32>
      %select_n3A_805 = arith.select %eq3A_798, %dot_general3A_796, %add3A_804 : vector<8x512xf32>
      %swap3A_806 = arith.constant 14 : index
      %swap3A_807 = arith.constant 0 : index
      %swap3A_808 = arith.constant 0 : index
      %swap3A_809 = vector.load %arg11[%swap3A_806, %swap3A_807, %swap3A_808] : memref<16x8x512xf32, #tpu.memory_space<vmem>>, vector<1x8x512xf32>
      %swap3A_810 = vector.shape_cast %swap3A_809 : vector<1x8x512xf32> to vector<8x512xf32>
      %swap3A_811 = vector.shape_cast %select_n3A_805 : vector<8x512xf32> to vector<1x8x512xf32>
      tpu.vector_store %arg11[%swap3A_806, %swap3A_807, %swap3A_808], %swap3A_811 {strides = array<i32>} : memref<16x8x512xf32, #tpu.memory_space<vmem>>, vector<1x8x512xf32>,
      %get3A_812 = arith.constant 15 : index
      %get3A_813 = arith.constant 0 : index
      %get3A_814 = arith.constant 0 : index
      %get3A_815 = vector.load %arg10[%get3A_812, %get3A_813, %get3A_814] : memref<16x256x512xf32, #tpu.memory_space<vmem>>, vector<1x256x512xf32>
      %get3A_816 = vector.shape_cast %get3A_815 : vector<1x256x512xf32> to vector<256x512xf32>
      %le3A_817 = vector.broadcast %broadcast_in_dim3A_320 : vector<256x1xf32> to vector<256x512xf32>
      %le3A_818 = arith.cmpf ole, %get3A_816, %le3A_817 : vector<256x512xf32>
      %jit3A_819 = arith.constant 1.000000e+00 : f32
      %jit3A_820 = arith.constant 0.000000e+00 : f32
      %broadcast_in_dim3A_821 = vector.broadcast %jit3A_819 : f32 to vector<256x512xf32>
      %broadcast_in_dim3A_822 = vector.broadcast %jit3A_820 : f32 to vector<256x512xf32>
      %select_n3A_823 = arith.select %le3A_818, %broadcast_in_dim3A_821, %broadcast_in_dim3A_822 : vector<256x512xi1>, vector<256x512xf32>
      %dot_general3A_824 = arith.constant dense<0.000000e+00> : vector<8x512xf32>
      %dot_general3A_825 = tpu.matmul %broadcast_in_dim3A_377, %select_n3A_823, %dot_general3A_824 {dimension_numbers = #tpu.dot_dimension_numbers<[1], [0], [0], [1], [0, 0, 1, 1], [], []>, transpose_lhs_hint = false} : vector<8x256xf32>, vector<256x512xf32>, vector<8x512xf32> -> vector<8x512xf32>
      %eq3A_826 = arith.constant 0 : i32
      %eq3A_827 = arith.cmpi eq, %arg0, %eq3A_826 : i32
      %get3A_828 = arith.constant 15 : index
      %get3A_829 = arith.constant 0 : index
      %get3A_830 = arith.constant 0 : index
      %get3A_831 = vector.load %arg11[%get3A_828, %get3A_829, %get3A_830] : memref<16x8x512xf32, #tpu.memory_space<vmem>>, vector<1x8x512xf32>
      %get3A_832 = vector.shape_cast %get3A_831 : vector<1x8x512xf32> to vector<8x512xf32>
      %add3A_833 = arith.addf %get3A_832, %dot_general3A_825 : vector<8x512xf32>
      %select_n3A_834 = arith.select %eq3A_827, %dot_general3A_825, %add3A_833 : vector<8x512xf32>
      %swap3A_835 = arith.constant 15 : index
      %swap3A_836 = arith.constant 0 : index
      %swap3A_837 = arith.constant 0 : index
      %swap3A_838 = vector.load %arg11[%swap3A_835, %swap3A_836, %swap3A_837] : memref<16x8x512xf32, #tpu.memory_space<vmem>>, vector<1x8x512xf32>
      %swap3A_839 = vector.shape_cast %swap3A_838 : vector<1x8x512xf32> to vector<8x512xf32>
      %swap3A_840 = vector.shape_cast %select_n3A_834 : vector<8x512xf32> to vector<1x8x512xf32>
      tpu.vector_store %arg11[%swap3A_835, %swap3A_836, %swap3A_837], %swap3A_840 {strides = array<i32>} : memref<16x8x512xf32, #tpu.memory_space<vmem>>, vector<1x8x512xf32>,
      %eq3A_841 = arith.constant 31 : i32
      %eq3A_842 = arith.cmpi eq, %arg0, %eq3A_841 : i32
      %convert_element_type3A_843 = arith.extui %eq3A_842 : i1 to i32
      %cond3A_844 = arith.constant 0 : i32
      %cond3A_845 = arith.cmpi ne, %convert_element_type3A_843, %cond3A_844 : i32
      scf.if %cond3A_845 {
        %get3A_846 = arith.constant 0 : index
        %get3A_847 = arith.constant 0 : index
        %get3A_848 = arith.constant 0 : index
        %get3A_849 = vector.load %arg11[%get3A_846, %get3A_847, %get3A_848] : memref<16x8x512xf32, #tpu.memory_space<vmem>>, vector<1x8x512xf32>
        %get3A_850 = vector.shape_cast %get3A_849 : vector<1x8x512xf32> to vector<8x512xf32>
        %swap3A_851 = arith.constant 0 : index
        %swap3A_852 = arith.constant 0 : index
        %swap3A_853 = arith.constant 0 : index
        %swap3A_854 = vector.load %arg7[%swap3A_851, %swap3A_852, %swap3A_853] : memref<16x8x512xf32, #tpu.memory_space<vmem>>, vector<1x8x512xf32>
        %swap3A_855 = vector.shape_cast %swap3A_854 : vector<1x8x512xf32> to vector<8x512xf32>
        %swap3A_856 = vector.shape_cast %get3A_850 : vector<8x512xf32> to vector<1x8x512xf32>
        tpu.vector_store %arg7[%swap3A_851, %swap3A_852, %swap3A_853], %swap3A_856 {strides = array<i32>} : memref<16x8x512xf32, #tpu.memory_space<vmem>>, vector<1x8x512xf32>,
        %get3A_857 = arith.constant 1 : index
        %get3A_858 = arith.constant 0 : index
        %get3A_859 = arith.constant 0 : index
        %get3A_860 = vector.load %arg11[%get3A_857, %get3A_858, %get3A_859] : memref<16x8x512xf32, #tpu.memory_space<vmem>>, vector<1x8x512xf32>
        %get3A_861 = vector.shape_cast %get3A_860 : vector<1x8x512xf32> to vector<8x512xf32>
        %swap3A_862 = arith.constant 1 : index
        %swap3A_863 = arith.constant 0 : index
        %swap3A_864 = arith.constant 0 : index
        %swap3A_865 = vector.load %arg7[%swap3A_862, %swap3A_863, %swap3A_864] : memref<16x8x512xf32, #tpu.memory_space<vmem>>, vector<1x8x512xf32>
        %swap3A_866 = vector.shape_cast %swap3A_865 : vector<1x8x512xf32> to vector<8x512xf32>
        %swap3A_867 = vector.shape_cast %get3A_861 : vector<8x512xf32> to vector<1x8x512xf32>
        tpu.vector_store %arg7[%swap3A_862, %swap3A_863, %swap3A_864], %swap3A_867 {strides = array<i32>} : memref<16x8x512xf32, #tpu.memory_space<vmem>>, vector<1x8x512xf32>,
        %get3A_868 = arith.constant 2 : index
        %get3A_869 = arith.constant 0 : index
        %get3A_870 = arith.constant 0 : index
        %get3A_871 = vector.load %arg11[%get3A_868, %get3A_869, %get3A_870] : memref<16x8x512xf32, #tpu.memory_space<vmem>>, vector<1x8x512xf32>
        %get3A_872 = vector.shape_cast %get3A_871 : vector<1x8x512xf32> to vector<8x512xf32>
        %swap3A_873 = arith.constant 2 : index
        %swap3A_874 = arith.constant 0 : index
        %swap3A_875 = arith.constant 0 : index
        %swap3A_876 = vector.load %arg7[%swap3A_873, %swap3A_874, %swap3A_875] : memref<16x8x512xf32, #tpu.memory_space<vmem>>, vector<1x8x512xf32>
        %swap3A_877 = vector.shape_cast %swap3A_876 : vector<1x8x512xf32> to vector<8x512xf32>
        %swap3A_878 = vector.shape_cast %get3A_872 : vector<8x512xf32> to vector<1x8x512xf32>
        tpu.vector_store %arg7[%swap3A_873, %swap3A_874, %swap3A_875], %swap3A_878 {strides = array<i32>} : memref<16x8x512xf32, #tpu.memory_space<vmem>>, vector<1x8x512xf32>,
        %get3A_879 = arith.constant 3 : index
        %get3A_880 = arith.constant 0 : index
        %get3A_881 = arith.constant 0 : index
        %get3A_882 = vector.load %arg11[%get3A_879, %get3A_880, %get3A_881] : memref<16x8x512xf32, #tpu.memory_space<vmem>>, vector<1x8x512xf32>
        %get3A_883 = vector.shape_cast %get3A_882 : vector<1x8x512xf32> to vector<8x512xf32>
        %swap3A_884 = arith.constant 3 : index
        %swap3A_885 = arith.constant 0 : index
        %swap3A_886 = arith.constant 0 : index
        %swap3A_887 = vector.load %arg7[%swap3A_884, %swap3A_885, %swap3A_886] : memref<16x8x512xf32, #tpu.memory_space<vmem>>, vector<1x8x512xf32>
        %swap3A_888 = vector.shape_cast %swap3A_887 : vector<1x8x512xf32> to vector<8x512xf32>
        %swap3A_889 = vector.shape_cast %get3A_883 : vector<8x512xf32> to vector<1x8x512xf32>
        tpu.vector_store %arg7[%swap3A_884, %swap3A_885, %swap3A_886], %swap3A_889 {strides = array<i32>} : memref<16x8x512xf32, #tpu.memory_space<vmem>>, vector<1x8x512xf32>,
        %get3A_890 = arith.constant 4 : index
        %get3A_891 = arith.constant 0 : index
        %get3A_892 = arith.constant 0 : index
        %get3A_893 = vector.load %arg11[%get3A_890, %get3A_891, %get3A_892] : memref<16x8x512xf32, #tpu.memory_space<vmem>>, vector<1x8x512xf32>
        %get3A_894 = vector.shape_cast %get3A_893 : vector<1x8x512xf32> to vector<8x512xf32>
        %swap3A_895 = arith.constant 4 : index
        %swap3A_896 = arith.constant 0 : index
        %swap3A_897 = arith.constant 0 : index
        %swap3A_898 = vector.load %arg7[%swap3A_895, %swap3A_896, %swap3A_897] : memref<16x8x512xf32, #tpu.memory_space<vmem>>, vector<1x8x512xf32>
        %swap3A_899 = vector.shape_cast %swap3A_898 : vector<1x8x512xf32> to vector<8x512xf32>
        %swap3A_900 = vector.shape_cast %get3A_894 : vector<8x512xf32> to vector<1x8x512xf32>
        tpu.vector_store %arg7[%swap3A_895, %swap3A_896, %swap3A_897], %swap3A_900 {strides = array<i32>} : memref<16x8x512xf32, #tpu.memory_space<vmem>>, vector<1x8x512xf32>,
        %get3A_901 = arith.constant 5 : index
        %get3A_902 = arith.constant 0 : index
        %get3A_903 = arith.constant 0 : index
        %get3A_904 = vector.load %arg11[%get3A_901, %get3A_902, %get3A_903] : memref<16x8x512xf32, #tpu.memory_space<vmem>>, vector<1x8x512xf32>
        %get3A_905 = vector.shape_cast %get3A_904 : vector<1x8x512xf32> to vector<8x512xf32>
        %swap3A_906 = arith.constant 5 : index
        %swap3A_907 = arith.constant 0 : index
        %swap3A_908 = arith.constant 0 : index
        %swap3A_909 = vector.load %arg7[%swap3A_906, %swap3A_907, %swap3A_908] : memref<16x8x512xf32, #tpu.memory_space<vmem>>, vector<1x8x512xf32>
        %swap3A_910 = vector.shape_cast %swap3A_909 : vector<1x8x512xf32> to vector<8x512xf32>
        %swap3A_911 = vector.shape_cast %get3A_905 : vector<8x512xf32> to vector<1x8x512xf32>
        tpu.vector_store %arg7[%swap3A_906, %swap3A_907, %swap3A_908], %swap3A_911 {strides = array<i32>} : memref<16x8x512xf32, #tpu.memory_space<vmem>>, vector<1x8x512xf32>,
        %get3A_912 = arith.constant 6 : index
        %get3A_913 = arith.constant 0 : index
        %get3A_914 = arith.constant 0 : index
        %get3A_915 = vector.load %arg11[%get3A_912, %get3A_913, %get3A_914] : memref<16x8x512xf32, #tpu.memory_space<vmem>>, vector<1x8x512xf32>
        %get3A_916 = vector.shape_cast %get3A_915 : vector<1x8x512xf32> to vector<8x512xf32>
        %swap3A_917 = arith.constant 6 : index
        %swap3A_918 = arith.constant 0 : index
        %swap3A_919 = arith.constant 0 : index
        %swap3A_920 = vector.load %arg7[%swap3A_917, %swap3A_918, %swap3A_919] : memref<16x8x512xf32, #tpu.memory_space<vmem>>, vector<1x8x512xf32>
        %swap3A_921 = vector.shape_cast %swap3A_920 : vector<1x8x512xf32> to vector<8x512xf32>
        %swap3A_922 = vector.shape_cast %get3A_916 : vector<8x512xf32> to vector<1x8x512xf32>
        tpu.vector_store %arg7[%swap3A_917, %swap3A_918, %swap3A_919], %swap3A_922 {strides = array<i32>} : memref<16x8x512xf32, #tpu.memory_space<vmem>>, vector<1x8x512xf32>,
        %get3A_923 = arith.constant 7 : index
        %get3A_924 = arith.constant 0 : index
        %get3A_925 = arith.constant 0 : index
        %get3A_926 = vector.load %arg11[%get3A_923, %get3A_924, %get3A_925] : memref<16x8x512xf32, #tpu.memory_space<vmem>>, vector<1x8x512xf32>
        %get3A_927 = vector.shape_cast %get3A_926 : vector<1x8x512xf32> to vector<8x512xf32>
        %swap3A_928 = arith.constant 7 : index
        %swap3A_929 = arith.constant 0 : index
        %swap3A_930 = arith.constant 0 : index
        %swap3A_931 = vector.load %arg7[%swap3A_928, %swap3A_929, %swap3A_930] : memref<16x8x512xf32, #tpu.memory_space<vmem>>, vector<1x8x512xf32>
        %swap3A_932 = vector.shape_cast %swap3A_931 : vector<1x8x512xf32> to vector<8x512xf32>
        %swap3A_933 = vector.shape_cast %get3A_927 : vector<8x512xf32> to vector<1x8x512xf32>
        tpu.vector_store %arg7[%swap3A_928, %swap3A_929, %swap3A_930], %swap3A_933 {strides = array<i32>} : memref<16x8x512xf32, #tpu.memory_space<vmem>>, vector<1x8x512xf32>,
        %get3A_934 = arith.constant 8 : index
        %get3A_935 = arith.constant 0 : index
        %get3A_936 = arith.constant 0 : index
        %get3A_937 = vector.load %arg11[%get3A_934, %get3A_935, %get3A_936] : memref<16x8x512xf32, #tpu.memory_space<vmem>>, vector<1x8x512xf32>
        %get3A_938 = vector.shape_cast %get3A_937 : vector<1x8x512xf32> to vector<8x512xf32>
        %swap3A_939 = arith.constant 8 : index
        %swap3A_940 = arith.constant 0 : index
        %swap3A_941 = arith.constant 0 : index
        %swap3A_942 = vector.load %arg7[%swap3A_939, %swap3A_940, %swap3A_941] : memref<16x8x512xf32, #tpu.memory_space<vmem>>, vector<1x8x512xf32>
        %swap3A_943 = vector.shape_cast %swap3A_942 : vector<1x8x512xf32> to vector<8x512xf32>
        %swap3A_944 = vector.shape_cast %get3A_938 : vector<8x512xf32> to vector<1x8x512xf32>
        tpu.vector_store %arg7[%swap3A_939, %swap3A_940, %swap3A_941], %swap3A_944 {strides = array<i32>} : memref<16x8x512xf32, #tpu.memory_space<vmem>>, vector<1x8x512xf32>,
        %get3A_945 = arith.constant 9 : index
        %get3A_946 = arith.constant 0 : index
        %get3A_947 = arith.constant 0 : index
        %get3A_948 = vector.load %arg11[%get3A_945, %get3A_946, %get3A_947] : memref<16x8x512xf32, #tpu.memory_space<vmem>>, vector<1x8x512xf32>
        %get3A_949 = vector.shape_cast %get3A_948 : vector<1x8x512xf32> to vector<8x512xf32>
        %swap3A_950 = arith.constant 9 : index
        %swap3A_951 = arith.constant 0 : index
        %swap3A_952 = arith.constant 0 : index
        %swap3A_953 = vector.load %arg7[%swap3A_950, %swap3A_951, %swap3A_952] : memref<16x8x512xf32, #tpu.memory_space<vmem>>, vector<1x8x512xf32>
        %swap3A_954 = vector.shape_cast %swap3A_953 : vector<1x8x512xf32> to vector<8x512xf32>
        %swap3A_955 = vector.shape_cast %get3A_949 : vector<8x512xf32> to vector<1x8x512xf32>
        tpu.vector_store %arg7[%swap3A_950, %swap3A_951, %swap3A_952], %swap3A_955 {strides = array<i32>} : memref<16x8x512xf32, #tpu.memory_space<vmem>>, vector<1x8x512xf32>,
        %get3A_956 = arith.constant 10 : index
        %get3A_957 = arith.constant 0 : index
        %get3A_958 = arith.constant 0 : index
        %get3A_959 = vector.load %arg11[%get3A_956, %get3A_957, %get3A_958] : memref<16x8x512xf32, #tpu.memory_space<vmem>>, vector<1x8x512xf32>
        %get3A_960 = vector.shape_cast %get3A_959 : vector<1x8x512xf32> to vector<8x512xf32>
        %swap3A_961 = arith.constant 10 : index
        %swap3A_962 = arith.constant 0 : index
        %swap3A_963 = arith.constant 0 : index
        %swap3A_964 = vector.load %arg7[%swap3A_961, %swap3A_962, %swap3A_963] : memref<16x8x512xf32, #tpu.memory_space<vmem>>, vector<1x8x512xf32>
        %swap3A_965 = vector.shape_cast %swap3A_964 : vector<1x8x512xf32> to vector<8x512xf32>
        %swap3A_966 = vector.shape_cast %get3A_960 : vector<8x512xf32> to vector<1x8x512xf32>
        tpu.vector_store %arg7[%swap3A_961, %swap3A_962, %swap3A_963], %swap3A_966 {strides = array<i32>} : memref<16x8x512xf32, #tpu.memory_space<vmem>>, vector<1x8x512xf32>,
        %get3A_967 = arith.constant 11 : index
        %get3A_968 = arith.constant 0 : index
        %get3A_969 = arith.constant 0 : index
        %get3A_970 = vector.load %arg11[%get3A_967, %get3A_968, %get3A_969] : memref<16x8x512xf32, #tpu.memory_space<vmem>>, vector<1x8x512xf32>
        %get3A_971 = vector.shape_cast %get3A_970 : vector<1x8x512xf32> to vector<8x512xf32>
        %swap3A_972 = arith.constant 11 : index
        %swap3A_973 = arith.constant 0 : index
        %swap3A_974 = arith.constant 0 : index
        %swap3A_975 = vector.load %arg7[%swap3A_972, %swap3A_973, %swap3A_974] : memref<16x8x512xf32, #tpu.memory_space<vmem>>, vector<1x8x512xf32>
        %swap3A_976 = vector.shape_cast %swap3A_975 : vector<1x8x512xf32> to vector<8x512xf32>
        %swap3A_977 = vector.shape_cast %get3A_971 : vector<8x512xf32> to vector<1x8x512xf32>
        tpu.vector_store %arg7[%swap3A_972, %swap3A_973, %swap3A_974], %swap3A_977 {strides = array<i32>} : memref<16x8x512xf32, #tpu.memory_space<vmem>>, vector<1x8x512xf32>,
        %get3A_978 = arith.constant 12 : index
        %get3A_979 = arith.constant 0 : index
        %get3A_980 = arith.constant 0 : index
        %get3A_981 = vector.load %arg11[%get3A_978, %get3A_979, %get3A_980] : memref<16x8x512xf32, #tpu.memory_space<vmem>>, vector<1x8x512xf32>
        %get3A_982 = vector.shape_cast %get3A_981 : vector<1x8x512xf32> to vector<8x512xf32>
        %swap3A_983 = arith.constant 12 : index
        %swap3A_984 = arith.constant 0 : index
        %swap3A_985 = arith.constant 0 : index
        %swap3A_986 = vector.load %arg7[%swap3A_983, %swap3A_984, %swap3A_985] : memref<16x8x512xf32, #tpu.memory_space<vmem>>, vector<1x8x512xf32>
        %swap3A_987 = vector.shape_cast %swap3A_986 : vector<1x8x512xf32> to vector<8x512xf32>
        %swap3A_988 = vector.shape_cast %get3A_982 : vector<8x512xf32> to vector<1x8x512xf32>
        tpu.vector_store %arg7[%swap3A_983, %swap3A_984, %swap3A_985], %swap3A_988 {strides = array<i32>} : memref<16x8x512xf32, #tpu.memory_space<vmem>>, vector<1x8x512xf32>,
        %get3A_989 = arith.constant 13 : index
        %get3A_990 = arith.constant 0 : index
        %get3A_991 = arith.constant 0 : index
        %get3A_992 = vector.load %arg11[%get3A_989, %get3A_990, %get3A_991] : memref<16x8x512xf32, #tpu.memory_space<vmem>>, vector<1x8x512xf32>
        %get3A_993 = vector.shape_cast %get3A_992 : vector<1x8x512xf32> to vector<8x512xf32>
        %swap3A_994 = arith.constant 13 : index
        %swap3A_995 = arith.constant 0 : index
        %swap3A_996 = arith.constant 0 : index
        %swap3A_997 = vector.load %arg7[%swap3A_994, %swap3A_995, %swap3A_996] : memref<16x8x512xf32, #tpu.memory_space<vmem>>, vector<1x8x512xf32>
        %swap3A_998 = vector.shape_cast %swap3A_997 : vector<1x8x512xf32> to vector<8x512xf32>
        %swap3A_999 = vector.shape_cast %get3A_993 : vector<8x512xf32> to vector<1x8x512xf32>
        tpu.vector_store %arg7[%swap3A_994, %swap3A_995, %swap3A_996], %swap3A_999 {strides = array<i32>} : memref<16x8x512xf32, #tpu.memory_space<vmem>>, vector<1x8x512xf32>,
        %get3A_1000 = arith.constant 14 : index
        %get3A_1001 = arith.constant 0 : index
        %get3A_1002 = arith.constant 0 : index
        %get3A_1003 = vector.load %arg11[%get3A_1000, %get3A_1001, %get3A_1002] : memref<16x8x512xf32, #tpu.memory_space<vmem>>, vector<1x8x512xf32>
        %get3A_1004 = vector.shape_cast %get3A_1003 : vector<1x8x512xf32> to vector<8x512xf32>
        %swap3A_1005 = arith.constant 14 : index
        %swap3A_1006 = arith.constant 0 : index
        %swap3A_1007 = arith.constant 0 : index
        %swap3A_1008 = vector.load %arg7[%swap3A_1005, %swap3A_1006, %swap3A_1007] : memref<16x8x512xf32, #tpu.memory_space<vmem>>, vector<1x8x512xf32>
        %swap3A_1009 = vector.shape_cast %swap3A_1008 : vector<1x8x512xf32> to vector<8x512xf32>
        %swap3A_1010 = vector.shape_cast %get3A_1004 : vector<8x512xf32> to vector<1x8x512xf32>
        tpu.vector_store %arg7[%swap3A_1005, %swap3A_1006, %swap3A_1007], %swap3A_1010 {strides = array<i32>} : memref<16x8x512xf32, #tpu.memory_space<vmem>>, vector<1x8x512xf32>,
        %get3A_1011 = arith.constant 15 : index
        %get3A_1012 = arith.constant 0 : index
        %get3A_1013 = arith.constant 0 : index
        %get3A_1014 = vector.load %arg11[%get3A_1011, %get3A_1012, %get3A_1013] : memref<16x8x512xf32, #tpu.memory_space<vmem>>, vector<1x8x512xf32>
        %get3A_1015 = vector.shape_cast %get3A_1014 : vector<1x8x512xf32> to vector<8x512xf32>
        %swap3A_1016 = arith.constant 15 : index
        %swap3A_1017 = arith.constant 0 : index
        %swap3A_1018 = arith.constant 0 : index
        %swap3A_1019 = vector.load %arg7[%swap3A_1016, %swap3A_1017, %swap3A_1018] : memref<16x8x512xf32, #tpu.memory_space<vmem>>, vector<1x8x512xf32>
        %swap3A_1020 = vector.shape_cast %swap3A_1019 : vector<1x8x512xf32> to vector<8x512xf32>
        %swap3A_1021 = vector.shape_cast %get3A_1015 : vector<8x512xf32> to vector<1x8x512xf32>
        tpu.vector_store %arg7[%swap3A_1016, %swap3A_1017, %swap3A_1018], %swap3A_1021 {strides = array<i32>} : memref<16x8x512xf32, #tpu.memory_space<vmem>>, vector<1x8x512xf32>,
      } else {
      }
    } else {
    }
    return
  }
  func.func @transform_0(%arg0: i32, %arg1: i32) -> (i32, i32) {
    %c0_i32 = arith.constant 0 : i32
    %c0_i32_0 = arith.constant 0 : i32
    return %arg0, %c0_i32 : i32, i32
  }
  func.func @transform_1(%arg0: i32, %arg1: i32) -> (i32, i32) {
    %c0_i32 = arith.constant 0 : i32
    %c0_i32_0 = arith.constant 0 : i32
    %c0_i32_1 = arith.constant 0 : i32
    return %c0_i32, %c0_i32_0 : i32, i32
  }
  func.func @transform_2(%arg0: i32, %arg1: i32) -> (i32, i32) {
    %c0_i32 = arith.constant 0 : i32
    return %arg0, %arg1 : i32, i32
  }
  func.func @transform_3(%arg0: i32, %arg1: i32) -> (i32, i32) {
    %c0_i32 = arith.constant 0 : i32
    %c0_i32_0 = arith.constant 0 : i32
    return %arg0, %c0_i32 : i32, i32
  }
  func.func @transform_4(%arg0: i32, %arg1: i32) -> (i32, i32) {
    %c0_i32 = arith.constant 0 : i32
    %c0_i32_0 = arith.constant 0 : i32
    return %arg0, %c0_i32 : i32, i32
  }
  func.func @transform_5(%arg0: i32, %arg1: i32) -> (i32, i32, i32) {
    %c0_i32 = arith.constant 0 : i32
    %c0_i32_0 = arith.constant 0 : i32
    %c0_i32_1 = arith.constant 0 : i32
    %c0_i32_2 = arith.constant 0 : i32
    return %c0_i32, %c0_i32_0, %c0_i32_1 : i32, i32, i32
  }
}

</mosaic_0001>

<sc_bundles>
// kernel: kernel.5.cloned.1.call-start
scs
__scs_entry_jumppad:
0x0: {  	(pc) =	sbr.rel $0x88, $3  }
0x1: {  	(tag) =	ssettag $0x0;
	lr =	simm.s32 $0x1  }
0x2: {  	[smem:$0x3F9F] =	sst lr;
	_ =	strace $0xD0000000  }
0x3: {  	_ = 	snop  }
0x4: {  	_ = 	snop  }
0x5: {  	_ = 	snop  }
0x6: {  	_ = 	snop  }
0x7: {  	_ = 	snop  }
__scs_overlays_trampoline_lowered:
0x8: {  	[smem:$0x3FAE] =	sst s0  }
0x9: {  	[smem:$0x3FAF] =	sst s1  }
0xa: {  	[smem:$0x3FB0] =	sst s2  }
0xb: {  	[smem:$0x3FB1] =	sst s3  }
0xc: {  	[smem:$0x3FB2] =	sst s4  }
0xd: {  	[smem:$0x3FB3] =	sst s5  }
0xe: {  	[smem:$0x3FB4] =	sst s6  }
0xf: {  	[smem:$0x3FB5] =	sst s7  }
0x10: {  	[smem:$0x3FB6] =	sst s8  }
0x11: {  	[smem:$0x3FB7] =	sst s9;
	s0 =	simm.s32 @!p0 $0x0  }
0x12: {  	s1 =	sld [smem:$0x3F9D];
	s0 =	simm.s32 @p0 $0x1  }
0x13: {  	[smem:$0x3FB8] =	sst s0;
	s0 =	simm.s32 @!p1 $0x0  }
0x14: {  	s2 =	sld [smem:$0x3F9C];
	s0 =	simm.s32 @p1 $0x1  }
0x15: {  	[smem:$0x3FB9] =	sst s0;
	s0 =	simm.s32 @!p2 $0x0  }
0x16: {  	s3 =	sld [smem:$0x3FDB];
	s0 =	simm.s32 @p2 $0x1  }
0x17: {  	s4 =	simm.s32 $0x1BF5;
	[smem:$0x3FBB] =	sst s0  }
0x18: {  	s0 =	sld [smem:$0x3F9E];
	_ =	swait.ge [sflag:s4], $0x0  }
0x19: {  	s7 =	sld [smem:$0x3F9F]  }
0x1a: {  	s8 =	sadd.s32 $0xFFFFE003, lr  }
0x1b: {  	s9 =	sadd.s32 $0xFFFFFEF7, lr;
	s5 =	simm.s32 $0xFFFFFFFF;
	p2 =	slt.u32 s8, $0xFFFFF086  }
0x1c: {  	p1 =	slt.u32 s9, $0xF7A;
	s5 =	simm.s32 @!p2 $0x0  }
0x1d: {  	s5 =	simm.s32 @p1 $0x1;
	p0 =	seq.s32 s7, s2  }
0x1e: {  	s7 =	smul.u32 @!p0 $0xF7A, s2;
	p2 =	seq.s32 @!p0 s5, $0x0  }
0x1f: {  	s9 =	smul.u32 $0xF7A, s1;
	s8 =	simm.s32 @!p0 $0x1BF5;
	p2 =	por !p2, p0  }
0x20: {  	[sflag:s8] =	ssyncset.s32 @!p0 $0xFFFFF086;
	s6 =	sadd.s32 @!p0 s3, s7;
	s7 =	simm.s32 @!p0 $0x108  }
0x21: {  	s3 =	sadd.s32 s3, s9;
	s6 =	sadd.s32 @!p0 $0x88, s6;
	s7 =	simm.s32 @p2 $0x1082  }
0x22: {  	[simem:s7], [sflag:s8] =	dma.local @!p0 [hbm:s6], $0xF7A  }
0x23: {  	s9 =	sor.u32 $0xD0000000, s2;
	s6 =	simm.s32 $0x108;
	_ =	swait.ge @!p0 [sflag:s8], $0x0  }
0x24: {  	s3 =	sadd.s32 $0x88, s3;
	s6 =	simm.s32 @!p1 $0x1082;
	[sflag:s4] =	ssyncset.s32 $0xFFFFF086  }
0x25: {  	[simem:s6], [sflag:s4] =	dma.local [hbm:s3], $0xF7A  }
0x26: {  	[smem:$0x3F9F] =	sst s1;
	(tag) =	ssettag s2;
	_ =	strace s9  }
0x27: {  	s1 =	sld [smem:$0x3FAF]  }
0x28: {  	s2 =	sld [smem:$0x3FB0]  }
0x29: {  	s4 =	sld [smem:$0x3FB2]  }
0x2a: {  	p0 =	seq.s32 s5, $0x0;
	s5 =	sld [smem:$0x3FB3]  }
0x2b: {  	s6 =	sld [smem:$0x3FB4]  }
0x2c: {  	s7 =	sld [smem:$0x3FB5]  }
0x2d: {  	s3 =	simm.s32 $0x108;
	s8 =	sld [smem:$0x3FB6]  }
0x2e: {  	s3 =	simm.s32 @!p0 $0x1082;
	s9 =	sld [smem:$0x3FB7]  }
0x2f: {  	lr =	sadd.s32 s0, s3;
	s0 =	sld [smem:$0x3FAE]  }
0x30: {  	s3 =	sld [smem:$0x3FB1]  }
0x31: {  	[smem:$0x3FBA] =	sst s10  }
0x32: {  	s10 =	sld [smem:$0x3FB8];
	_ =	sdelay $0x3  }
0x33: {  	p0 =	seq.s32 s10, $0x1;
	s10 =	sld [smem:$0x3FBA];
	_ =	sdelay $0x3  }
0x34: {  	[smem:$0x3FBA] =	sst s10  }
0x35: {  	s10 =	sld [smem:$0x3FB9];
	_ =	sdelay $0x3  }
0x36: {  	p1 =	seq.s32 s10, $0x1;
	s10 =	sld [smem:$0x3FBA];
	_ =	sdelay $0x3  }
0x37: {  	[smem:$0x3FBA] =	sst s10  }
0x38: {  	s10 =	sld [smem:$0x3FBB]  }
0x39: {  	_ = 	snop;
	(pc) =	sbr.ind lr, $3  }
0x3a: {  	_ = 	snop  }
0x3b: {  	_ = 	snop  }
0x3c: {  	p2 =	seq.s32 s10, $0x1;
	s10 =	sld [smem:$0x3FBA]  }
0x3d: {  	_ =	shalt  }
0x3e: {  	_ =	shalt  }
0x3f: {  	_ =	shalt  }
0x40: {  	_ =	shalt  }
0x41: {  	_ =	shalt  }
0x42: {  	_ =	shalt  }
0x43: {  	_ =	shalt  }
0x44: {  	_ =	shalt  }
0x45: {  	_ =	shalt  }
0x46: {  	_ =	shalt  }
0x47: {  	_ =	shalt  }
0x48: {  	_ =	shalt  }
0x49: {  	_ =	shalt  }
0x4a: {  	_ =	shalt  }
0x4b: {  	_ =	shalt  }
0x4c: {  	_ =	shalt  }
0x4d: {  	_ =	shalt  }
0x4e: {  	_ =	shalt  }
0x4f: {  	_ =	shalt  }
0x50: {  	_ =	shalt  }
0x51: {  	_ =	shalt  }
0x52: {  	_ =	shalt  }
0x53: {  	_ =	shalt  }
0x54: {  	_ =	shalt  }
0x55: {  	_ =	shalt  }
0x56: {  	_ =	shalt  }
0x57: {  	_ =	shalt  }
0x58: {  	_ =	shalt  }
0x59: {  	_ =	shalt  }
0x5a: {  	_ =	shalt  }
0x5b: {  	_ =	shalt  }
0x5c: {  	_ =	shalt  }
0x5d: {  	_ =	shalt  }
0x5e: {  	_ =	shalt  }
0x5f: {  	_ =	shalt  }
0x60: {  	_ =	shalt  }
0x61: {  	_ =	shalt  }
0x62: {  	_ =	shalt  }
0x63: {  	_ =	shalt  }
0x64: {  	_ =	shalt  }
0x65: {  	_ =	shalt  }
0x66: {  	_ =	shalt  }
0x67: {  	_ =	shalt  }
0x68: {  	_ =	shalt  }
0x69: {  	_ =	shalt  }
0x6a: {  	_ =	shalt  }
0x6b: {  	_ =	shalt  }
0x6c: {  	_ =	shalt  }
0x6d: {  	_ =	shalt  }
0x6e: {  	_ =	shalt  }
0x6f: {  	_ =	shalt  }
0x70: {  	_ =	shalt  }
0x71: {  	_ =	shalt  }
0x72: {  	_ =	shalt  }
0x73: {  	_ =	shalt  }
0x74: {  	_ =	shalt  }
0x75: {  	_ =	shalt  }
0x76: {  	_ =	shalt  }
0x77: {  	_ =	shalt  }
0x78: {  	_ =	shalt  }
0x79: {  	_ =	shalt  }
0x7a: {  	_ =	shalt  }
0x7b: {  	_ =	shalt  }
0x7c: {  	_ =	shalt  }
0x7d: {  	_ =	shalt  }
0x7e: {  	_ =	shalt  }
0x7f: {  	_ =	shalt  }
0x80: {  	_ =	shalt  }
0x81: {  	_ =	shalt  }
0x82: {  	_ =	shalt  }
0x83: {  	_ =	shalt  }
0x84: {  	_ =	shalt  }
0x85: {  	_ =	shalt  }
0x86: {  	_ =	shalt  }
0x87: {  	_ =	shalt  }
.Lfunc_end0:
.L_simem_size_0:
called_computation_lowered:
.L_overlay_start_0:
0x88: {  	s2 =	sld [smem:$0x3FD9]  }
0x89: {  	s3 =	sld [smem:$0x3FFE];
	_ =	sdelay $0x1  }
0x8a: {  	s1 =	srdreg.scid  }
0x8b: {  	s0 =	sand.u32 $0x1, s1  }
0x8c: {  	s14 =	sshll.u32 s0, $0xA;
	s2 =	sadd.s32 s3, s2  }
0x8d: {  	s2 =	sadd.s32 s2, s14  }
0x8e: {  	[smem:$0x3FC6] =	sst s2  }
0x8f: {  	_ = 	snop  }
0x90: {  	s2 =	sld [smem:$0x3FD0];
	_ =	sdelay $0x2  }
0x91: {  	s4 =	simm.s32 $0xA;
	s5 =	simm.s32 $0x10;
	s15 =	sld [smem:$0x3FC8]  }
0x92: {  	[smem:s5], [sflag:s4] =	dma.local [hbm:s2], $0x1  }
0x93: {  	_ =	swait.eq [sflag:s4], $0x1  }
0x94: {  	[sflag:s4] =	ssyncset.done $0x0  }
0x95: {  	[sflag:s4] =	ssyncadd.s32 $0xFFFFFFFF  }
0x96: {  	s16 =	sld [smem:$0x11];
	(tm) =	ssettm $0x1  }
0x97: {  	s17 =	sld [smem:$0x3FFB];
	_ =	sdelay $0x3  }
0x98: {  	_ =	strace s17  }
0x99: {  	s4 =	sld [smem:$0x3FFC];
	_ =	sdelay $0x3  }
0x9a: {  	_ =	strace s4  }
0x9b: {  	s4 =	sld [smem:$0x3FFD];
	_ =	sdelay $0x3  }
0x9c: {  	_ =	strace s4  }
0x9d: {  	_ =	strace $0x8FFFFFFF  }
0x9e: {  	s18 =	sld [smem:$0x3FDB];
	_ =	sdelay $0x1  }
0x9f: {  	s19 =	simm.s32 $_scs_section_size  }
0xa0: {  	s6 =	simm.s32 $_size__tile_overlayer_lowered;
	s7 =	simm.s32 $_tile_overlayer_lowered  }
0xa1: {  	s22 =	simm.s32 $0x1BFF;
	s21 =	sshll.u32 s7, $0x1;
	s4 =	sadd.s32 s19, s18  }
0xa2: {  	s8 =	simm.s32 $0x0;
	s20 =	sshll.u32 s6, $0x1;
	s6 =	sadd.s32 s21, s4  }
0xa3: {  	[timem:s8], [sflag:s22] =	dma.local [hbm:s6], s20  }
0xa4: {  	_ =	swait.ge [sflag:s22], s20  }
0xa5: {  	s5 =	ssub.s32 $0x0, s20;
	[sflag:s22] =	ssyncset.done $0x0  }
0xa6: {  	[sflag:s22] =	ssyncadd.s32 s5;
	_ =	sdelay $0x1  }
0xa7: {  	s23 =	simm.s32 $0x1B8B  }
0xa8: {  	_ =	swait.ge [sflag:s23], $0x1  }
0xa9: {  	[sflag:s23] =	ssyncset.done $0x0  }
0xaa: {  	s25 =	simm.s32 $0x1B8E;
	s24 =	sld [smem:$0x3FFE];
	[sflag:s23] =	ssyncadd.s32 $0xFFFFFFFF  }
0xab: {  	s26 =	simm.s32 $execute0_lowered;
	[smem:$0x3FD2] =	sst s25  }
0xac: {  	s6 =	sshll.u32 s26, $0x1;
	_ =	strace $0x80000046;
	[dreg:$0x1] =	wrdreg $0xFFFFFFFF  }
0xad: {  	s28 =	simm.s32 $_size_execute0_lowered;
	s4 =	sadd.s32 s4, s6;
	[dreg:$0x0] =	wrdreg $0x0  }
0xae: {  	s6 =	sshll.u32 s28, $0x1;
	[dreg:$0x2] =	wrdreg s4  }
0xaf: {  	[dreg:$0x3] =	wrdreg s6  }
0xb0: {  	[dreg:$0x4] =	wrdreg $0xC0  }
0xb1: {  	_ =	task [dreg:s8], $0x5FFFF  }
0xb2: {  	[dreg:$0x1] =	wrdreg $0xFFFFFFFF  }
0xb3: {  	[dreg:$0x0] =	wrdreg $0x60  }
0xb4: {  	[dreg:$0x2] =	wrdreg s15  }
0xb5: {  	[dreg:$0x3] =	wrdreg s24  }
0xb6: {  	[dreg:$0x4] =	wrdreg s16  }
0xb7: {  	[dreg:$0x5] =	wrdreg $0x9  }
0xb8: {  	_ =	task.clear_ibuf [dreg:s8], $0x6FFFF;
	_ =	strace $0x90000046  }
0xb9: {  	s29 =	simm.s32 $0x9;
	_ =	strace $0x80000048  }
0xba: {  	_ =	swait.ge [sflag:s29], $0x1  }
0xbb: {  	[sflag:s29] =	ssyncadd.s32 $0xFFFFFFFF  }
0xbc: {  	_ =	strace $0x90000048  }
0xbd: {  	_ =	sfence  }
0xbe: {  	s30 =	sld [smem:$0x0];
	_ =	sdelay $0x2  }
0xbf: {  	s31 =	sshll.u32 s1, $0xD;
	s1 =	sshrl.u32 s1, $0x2  }
0xc0: {  	s3 =	sand.u32 $0x4000, s31;
	s1 =	sadd.s32 s1, s30  }
0xc1: {  	s0 =	sor.u32 s3, s0;
	s1 =	sshll.u32 s1, $0x11  }
0xc2: {  	s0 =	sor.u32 s1, s0  }
0xc3: {  	s0 =	sadd.s32 $0x8F2B, s0  }
0xc4: {  	[sflag:s0] =	ssyncadd.remote.s32 $0x1  }
0xc5: {  	_ =	sfence.sel $0xFFFF  }
0xc6: {  	[dreg:$0x0] =	wrdreg $0xFFFFFFFF;
	(pc) =	sbr.abs _section_cstart, $3  }
0xc7: {  	[dreg:$0x1] =	wrdreg $0xFFFFFFFF  }
0xc8: {  	_ =	task.clear_ibuf [dreg:s8], $0x2FFFF;
	_ =	strace $0x9FFFFFFF  }
0xc9: {  	(tm) =	ssettm $0x7FFFFFFF  }
tec
execute0_lowered:
.L_overlay_start_1:
0x0: {  	(tag) =	ssettag $0x1  }
0x1: {  	s1 =	rddreg [dreg:$0x0]  }
0x2: {  	s0 =	srdreg.scid;
	s2 =	rddreg [dreg:$0x1]  }
0x3: {  	s3 =	stileid.u32;
	s4 =	rddreg [dreg:$0x2];
	s13 =	simm.s32 $0x1  }
0x4: {  	s14 =	simm.s32 $0x2;
	s16 =	simm.s32 $0xC00;
	s17 =	simm.s32 $0x1400  }
0x5: {  	s18 =	simm.s32 $0x1C00;
	s19 =	simm.s32 $0x2400;
	s20 =	simm.s32 $0x2C00  }
0x6: {  	s28 =	simm.s32 $0x5C00;
	s29 =	simm.s32 $0x6400;
	s30 =	simm.s32 $0x6C00  }
0x7: {  	s31 =	simm.s32 $0x7400;
	s8 =	simm.s32 $0x9C00;
	s9 =	simm.s32 $0xA400  }
0x8: {  	s10 =	simm.s32 $0xAC00;
	s0 =	sand.u32 $0x1, s0;
	s3 =	sshll.u32 s3, $0x1  }
0x9: {  	s11 =	simm.s32 $0xB400;
	s12 =	simm.s32 $0xBC00;
	s5 =	sor.u32 s0, s3  }
0xa: {  	s3 =	simm.s32 $0x0;
	s0 =	ssub.s32 $0x2, s0;
	s6 =	smul.u32 $0x6000, s5  }
0xb: {  	[smem:$0x7FF] =	sst s3;
	s7 =	sshll.u32 s5, $0x7;
	s5 =	smul.u32 $0x30000, s5  }
0xc: {  	s25 =	sshrl.u32 s0, $0x1;
	_ =	strace $0x80000047;
	s2 =	sadd.s32 s7, s2  }
0xd: {  	s0 =	ssub.s32 s0, s25;
	s25 =	simm.s32 $0x4C00;
	s2 =	sadd.s32 $0xA00, s2  }
0xe: {  	s6 =	sadd.s32 s4, s6;
	s5 =	sshrl.u32 s5, $0x3;
	[dreg:$0x4] =	wrdreg s2  }
0xf: {  	[dreg:$0xa] =	wrdreg s6;
	s21 =	sadd.s32 $0x1000, s6;
	s4 =	sadd.s32 s4, s5  }
0x10: {  	s7 =	simm.s32 $0xC400;
	[dreg:$0x5] =	wrdreg s21;
	s22 =	sadd.s32 $0x2000, s4  }
0x11: {  	s5 =	smax.u32 s0, $0x1;
	s23 =	sadd.s32 $0x3000, s4;
	[dreg:$0x6] =	wrdreg s22  }
0x12: {  	s6 =	simm.s32 $0x3;
	s24 =	sadd.s32 $0x4000, s4;
	[dreg:$0x7] =	wrdreg s23  }
0x13: {  	v2 =	vlaneseq.u32;
	s0 =	simm.s32 $0x8400;
	s26 =	sadd.s32 $0x5000, s4;
	[dreg:$0x8] =	wrdreg s24  }
0x14: {  	vm0 =	vmmov $0xffff;
	v1 =	vshrl.u32 v2, $0x3;
	s21 =	simm.s32 $0x3400;
	[dreg:$0x9] =	wrdreg s26;
	s23 =	simm.s32 $0x400  }
0x15: {  	v0 =	vand.u32 $0x7, v2;
	v2 =	vor.u32 $0x8, v2;
	v1 =	vmul.u32 $0x8, v1;
	s22 =	simm.s32 $0x3C00;
	s24 =	simm.s32 $0x4400;
	s26 =	simm.s32 $0x5400  }
.LBB2_1:
0x16: {  	s15 =	rddreg [dreg:$0x4]  }
0x17: {  	[tilespmem:s3], [sflag:$0x3] =	stream.linear.gather [hbm4b:s15+s3], $0x300, $0x38;
	[tilespmem:$0x10400] =	vst v63  }
0x18: {  	_ =	swait.ge [sflag:s6], $0x300  }
0x19: {  	[sflag:s6] =	ssyncset.done $0x0  }
0x1a: {  	[sflag:s6] =	ssyncadd.s32 $0xFFFFFD00  }
0x1b: {  	v3 =	vld [tilespmem:$0x0];
	_ =	sdelay $0x4  }
0x1c: {  	v4 =	vshll.u32 v3, $0x1  }
0x1d: {  	v3 =	vand.u32 $0x7, v3;
	v4 =	vand.u32 $0xFFFFFFF0, v4  }
0x1e: {  	v3 =	vor.u32 v3, v4  }
0x1f: {  	v4 =	vperm.xlane v3, v0;
	_ =	sdelay $0x1  }
0x20: {  	v3 =	vperm.xlane v3, v2;
	v4 =	vadd.s32 v1, v4;
	_ =	sdelay $0x1  }
0x21: {  	v3 =	vadd.s32 v1, v3;
	_ =	sdelay $0x2  }
0x22: {  	[tilespmem:s23], [sflag:$0x1] =	stream.indirect_vreg.gather [hbm4b:s1+s3], $0x80, v4, vm0, $0xb8;
	[tilespmem:$0x10400] =	vst v63  }
0x23: {  	_ = 	snop  }
0x24: {  	[tilespmem:s16], [sflag:$0x1] =	stream.indirect_vreg.gather [hbm4b:s1+s3], $0x80, v3, vm0, $0xb8;
	[tilespmem:$0x10400] =	vst v63  }
0x25: {  	v3 =	vld [tilespmem:$0x10];
	_ =	sdelay $0x4  }
0x26: {  	v17 =	vshll.u32 v3, $0x1  }
0x27: {  	v3 =	vand.u32 $0x7, v3;
	v4 =	vand.u32 $0xFFFFFFF0, v17  }
0x28: {  	v3 =	vor.u32 v3, v4  }
0x29: {  	v4 =	vperm.xlane v3, v0;
	_ =	sdelay $0x1  }
0x2a: {  	v3 =	vperm.xlane v3, v2;
	v4 =	vadd.s32 v1, v4;
	_ =	sdelay $0x1  }
0x2b: {  	v3 =	vadd.s32 v1, v3;
	_ =	sdelay $0x2  }
0x2c: {  	[tilespmem:s17], [sflag:$0x1] =	stream.indirect_vreg.gather [hbm4b:s1+s3], $0x80, v4, vm0, $0xb8;
	[tilespmem:$0x10400] =	vst v63  }
0x2d: {  	_ = 	snop  }
0x2e: {  	[tilespmem:s18], [sflag:$0x1] =	stream.indirect_vreg.gather [hbm4b:s1+s3], $0x80, v3, vm0, $0xb8;
	[tilespmem:$0x10400] =	vst v63  }
0x2f: {  	v3 =	vld [tilespmem:$0x20];
	_ =	sdelay $0x4  }
0x30: {  	v18 =	vshll.u32 v3, $0x1  }
0x31: {  	v3 =	vand.u32 $0x7, v3;
	v4 =	vand.u32 $0xFFFFFFF0, v18  }
0x32: {  	v3 =	vor.u32 v3, v4  }
0x33: {  	v4 =	vperm.xlane v3, v0;
	_ =	sdelay $0x1  }
0x34: {  	v3 =	vperm.xlane v3, v2;
	v4 =	vadd.s32 v1, v4;
	_ =	sdelay $0x1  }
0x35: {  	v3 =	vadd.s32 v1, v3;
	_ =	sdelay $0x2  }
0x36: {  	[tilespmem:s19], [sflag:$0x1] =	stream.indirect_vreg.gather [hbm4b:s1+s3], $0x80, v4, vm0, $0xb8;
	[tilespmem:$0x10400] =	vst v63  }
0x37: {  	_ = 	snop  }
0x38: {  	[tilespmem:s20], [sflag:$0x1] =	stream.indirect_vreg.gather [hbm4b:s1+s3], $0x80, v3, vm0, $0xb8;
	[tilespmem:$0x10400] =	vst v63  }
0x39: {  	v3 =	vld [tilespmem:$0x30];
	_ =	sdelay $0x4  }
0x3a: {  	v19 =	vshll.u32 v3, $0x1  }
0x3b: {  	v3 =	vand.u32 $0x7, v3;
	v4 =	vand.u32 $0xFFFFFFF0, v19  }
0x3c: {  	v3 =	vor.u32 v3, v4  }
0x3d: {  	v4 =	vperm.xlane v3, v0;
	_ =	sdelay $0x1  }
0x3e: {  	v3 =	vperm.xlane v3, v2;
	v4 =	vadd.s32 v1, v4;
	_ =	sdelay $0x1  }
0x3f: {  	v3 =	vadd.s32 v1, v3;
	_ =	sdelay $0x2  }
0x40: {  	[tilespmem:s21], [sflag:$0x1] =	stream.indirect_vreg.gather [hbm4b:s1+s3], $0x80, v4, vm0, $0xb8;
	[tilespmem:$0x10400] =	vst v63  }
0x41: {  	_ = 	snop  }
0x42: {  	[tilespmem:s22], [sflag:$0x1] =	stream.indirect_vreg.gather [hbm4b:s1+s3], $0x80, v3, vm0, $0xb8;
	[tilespmem:$0x10400] =	vst v63  }
0x43: {  	v3 =	vld [tilespmem:$0x40];
	_ =	sdelay $0x4  }
0x44: {  	v20 =	vshll.u32 v3, $0x1  }
0x45: {  	v3 =	vand.u32 $0x7, v3;
	v4 =	vand.u32 $0xFFFFFFF0, v20  }
0x46: {  	v3 =	vor.u32 v3, v4  }
0x47: {  	v4 =	vperm.xlane v3, v0;
	_ =	sdelay $0x1  }
0x48: {  	v3 =	vperm.xlane v3, v2;
	v4 =	vadd.s32 v1, v4;
	_ =	sdelay $0x1  }
0x49: {  	v3 =	vadd.s32 v1, v3;
	_ =	sdelay $0x2  }
0x4a: {  	[tilespmem:s24], [sflag:$0x1] =	stream.indirect_vreg.gather [hbm4b:s1+s3], $0x80, v4, vm0, $0xb8;
	[tilespmem:$0x10400] =	vst v63  }
0x4b: {  	_ = 	snop  }
0x4c: {  	[tilespmem:s25], [sflag:$0x1] =	stream.indirect_vreg.gather [hbm4b:s1+s3], $0x80, v3, vm0, $0xb8;
	[tilespmem:$0x10400] =	vst v63  }
0x4d: {  	v3 =	vld [tilespmem:$0x50];
	_ =	sdelay $0x4  }
0x4e: {  	v21 =	vshll.u32 v3, $0x1  }
0x4f: {  	v3 =	vand.u32 $0x7, v3;
	v4 =	vand.u32 $0xFFFFFFF0, v21  }
0x50: {  	v3 =	vor.u32 v3, v4  }
0x51: {  	v4 =	vperm.xlane v3, v0;
	_ =	sdelay $0x1  }
0x52: {  	v3 =	vperm.xlane v3, v2;
	v4 =	vadd.s32 v1, v4;
	_ =	sdelay $0x1  }
0x53: {  	v3 =	vadd.s32 v1, v3;
	_ =	sdelay $0x2  }
0x54: {  	[tilespmem:s26], [sflag:$0x1] =	stream.indirect_vreg.gather [hbm4b:s1+s3], $0x80, v4, vm0, $0xb8;
	[tilespmem:$0x10400] =	vst v63  }
0x55: {  	_ = 	snop  }
0x56: {  	[tilespmem:s28], [sflag:$0x1] =	stream.indirect_vreg.gather [hbm4b:s1+s3], $0x80, v3, vm0, $0xb8;
	[tilespmem:$0x10400] =	vst v63  }
0x57: {  	v3 =	vld [tilespmem:$0x60];
	_ =	sdelay $0x4  }
0x58: {  	v22 =	vshll.u32 v3, $0x1  }
0x59: {  	v3 =	vand.u32 $0x7, v3;
	v4 =	vand.u32 $0xFFFFFFF0, v22  }
0x5a: {  	v3 =	vor.u32 v3, v4  }
0x5b: {  	v4 =	vperm.xlane v3, v0;
	_ =	sdelay $0x1  }
0x5c: {  	v3 =	vperm.xlane v3, v2;
	v4 =	vadd.s32 v1, v4;
	_ =	sdelay $0x1  }
0x5d: {  	v3 =	vadd.s32 v1, v3;
	_ =	sdelay $0x2  }
0x5e: {  	[tilespmem:s29], [sflag:$0x1] =	stream.indirect_vreg.gather [hbm4b:s1+s3], $0x80, v4, vm0, $0xb8;
	[tilespmem:$0x10400] =	vst v63  }
0x5f: {  	_ = 	snop  }
0x60: {  	[tilespmem:s30], [sflag:$0x1] =	stream.indirect_vreg.gather [hbm4b:s1+s3], $0x80, v3, vm0, $0xb8;
	[tilespmem:$0x10400] =	vst v63  }
0x61: {  	v3 =	vld [tilespmem:$0x70];
	_ =	sdelay $0x4  }
0x62: {  	v23 =	vshll.u32 v3, $0x1  }
0x63: {  	v3 =	vand.u32 $0x7, v3;
	v4 =	vand.u32 $0xFFFFFFF0, v23  }
0x64: {  	v3 =	vor.u32 v3, v4  }
0x65: {  	v4 =	vperm.xlane v3, v0;
	_ =	sdelay $0x1  }
0x66: {  	v3 =	vperm.xlane v3, v2;
	v4 =	vadd.s32 v1, v4;
	_ =	sdelay $0x1  }
0x67: {  	v3 =	vadd.s32 v1, v3;
	_ =	sdelay $0x2  }
0x68: {  	[tilespmem:s31], [sflag:$0x1] =	stream.indirect_vreg.gather [hbm4b:s1+s3], $0x80, v4, vm0, $0xb8;
	[tilespmem:$0x10400] =	vst v63  }
0x69: {  	s2 =	simm.s32 $0x7C00  }
0x6a: {  	[tilespmem:s2], [sflag:$0x1] =	stream.indirect_vreg.gather [hbm4b:s1+s3], $0x80, v3, vm0, $0xb8;
	[tilespmem:$0x10400] =	vst v63  }
0x6b: {  	v3 =	vld [tilespmem:$0x80];
	_ =	sdelay $0x4  }
0x6c: {  	v24 =	vshll.u32 v3, $0x1  }
0x6d: {  	v3 =	vand.u32 $0x7, v3;
	v4 =	vand.u32 $0xFFFFFFF0, v24  }
0x6e: {  	v3 =	vor.u32 v3, v4  }
0x6f: {  	v4 =	vperm.xlane v3, v0;
	_ =	sdelay $0x1  }
0x70: {  	v3 =	vperm.xlane v3, v2;
	v4 =	vadd.s32 v1, v4;
	_ =	sdelay $0x1  }
0x71: {  	v3 =	vadd.s32 v1, v3;
	_ =	sdelay $0x2  }
0x72: {  	[tilespmem:s0], [sflag:$0x2] =	stream.indirect_vreg.gather [hbm4b:s1+s3], $0x80, v4, vm0, $0xb8;
	[tilespmem:$0x10400] =	vst v63  }
0x73: {  	s4 =	simm.s32 $0x8C00  }
0x74: {  	[tilespmem:s4], [sflag:$0x2] =	stream.indirect_vreg.gather [hbm4b:s1+s3], $0x80, v3, vm0, $0xb8;
	[tilespmem:$0x10400] =	vst v63  }
0x75: {  	v3 =	vld [tilespmem:$0x90];
	_ =	sdelay $0x4  }
0x76: {  	v25 =	vshll.u32 v3, $0x1  }
0x77: {  	v3 =	vand.u32 $0x7, v3;
	v4 =	vand.u32 $0xFFFFFFF0, v25  }
0x78: {  	v3 =	vor.u32 v3, v4  }
0x79: {  	v4 =	vperm.xlane v3, v0;
	_ =	sdelay $0x1  }
0x7a: {  	v3 =	vperm.xlane v3, v2;
	v4 =	vadd.s32 v1, v4;
	_ =	sdelay $0x1  }
0x7b: {  	v3 =	vadd.s32 v1, v3;
	_ =	sdelay $0x1  }
0x7c: {  	s4 =	simm.s32 $0x9400  }
0x7d: {  	[tilespmem:s4], [sflag:$0x2] =	stream.indirect_vreg.gather [hbm4b:s1+s3], $0x80, v4, vm0, $0xb8;
	[tilespmem:$0x10400] =	vst v63  }
0x7e: {  	_ = 	snop  }
0x7f: {  	[tilespmem:s8], [sflag:$0x2] =	stream.indirect_vreg.gather [hbm4b:s1+s3], $0x80, v3, vm0, $0xb8;
	[tilespmem:$0x10400] =	vst v63  }
0x80: {  	v3 =	vld [tilespmem:$0xA0];
	_ =	sdelay $0x4  }
0x81: {  	v26 =	vshll.u32 v3, $0x1  }
0x82: {  	v3 =	vand.u32 $0x7, v3;
	v4 =	vand.u32 $0xFFFFFFF0, v26  }
0x83: {  	v3 =	vor.u32 v3, v4  }
0x84: {  	v4 =	vperm.xlane v3, v0;
	_ =	sdelay $0x1  }
0x85: {  	v3 =	vperm.xlane v3, v2;
	v4 =	vadd.s32 v1, v4;
	_ =	sdelay $0x1  }
0x86: {  	v3 =	vadd.s32 v1, v3;
	_ =	sdelay $0x2  }
0x87: {  	[tilespmem:s9], [sflag:$0x2] =	stream.indirect_vreg.gather [hbm4b:s1+s3], $0x80, v4, vm0, $0xb8;
	[tilespmem:$0x10400] =	vst v63  }
0x88: {  	_ = 	snop  }
0x89: {  	[tilespmem:s10], [sflag:$0x2] =	stream.indirect_vreg.gather [hbm4b:s1+s3], $0x80, v3, vm0, $0xb8;
	[tilespmem:$0x10400] =	vst v63  }
0x8a: {  	v3 =	vld [tilespmem:$0xB0];
	_ =	sdelay $0x4  }
0x8b: {  	v27 =	vshll.u32 v3, $0x1  }
0x8c: {  	v3 =	vand.u32 $0x7, v3;
	v4 =	vand.u32 $0xFFFFFFF0, v27  }
0x8d: {  	v3 =	vor.u32 v3, v4  }
0x8e: {  	v4 =	vperm.xlane v3, v0;
	_ =	sdelay $0x1  }
0x8f: {  	v3 =	vperm.xlane v3, v2;
	v4 =	vadd.s32 v1, v4;
	_ =	sdelay $0x1  }
0x90: {  	v3 =	vadd.s32 v1, v3;
	_ =	sdelay $0x2  }
0x91: {  	[tilespmem:s11], [sflag:$0x2] =	stream.indirect_vreg.gather [hbm4b:s1+s3], $0x80, v4, vm0, $0xb8;
	[tilespmem:$0x10400] =	vst v63  }
0x92: {  	_ = 	snop  }
0x93: {  	[tilespmem:s12], [sflag:$0x2] =	stream.indirect_vreg.gather [hbm4b:s1+s3], $0x80, v3, vm0, $0xb8;
	[tilespmem:$0x10400] =	vst v63  }
0x94: {  	v3 =	vld [tilespmem:$0xC0];
	_ =	sdelay $0x4  }
0x95: {  	v28 =	vshll.u32 v3, $0x1  }
0x96: {  	v3 =	vand.u32 $0x7, v3;
	v4 =	vand.u32 $0xFFFFFFF0, v28  }
0x97: {  	v3 =	vor.u32 v3, v4  }
0x98: {  	v4 =	vperm.xlane v3, v0;
	_ =	sdelay $0x1  }
0x99: {  	v3 =	vperm.xlane v3, v2;
	v4 =	vadd.s32 v1, v4;
	_ =	sdelay $0x1  }
0x9a: {  	v3 =	vadd.s32 v1, v3;
	_ =	sdelay $0x2  }
0x9b: {  	[tilespmem:s7], [sflag:$0x2] =	stream.indirect_vreg.gather [hbm4b:s1+s3], $0x80, v4, vm0, $0xb8;
	[tilespmem:$0x10400] =	vst v63  }
0x9c: {  	s15 =	simm.s32 $0xCC00  }
0x9d: {  	[tilespmem:s15], [sflag:$0x2] =	stream.indirect_vreg.gather [hbm4b:s1+s3], $0x80, v3, vm0, $0xb8;
	[tilespmem:$0x10400] =	vst v63  }
0x9e: {  	v3 =	vld [tilespmem:$0xD0];
	_ =	sdelay $0x4  }
0x9f: {  	v29 =	vshll.u32 v3, $0x1  }
0xa0: {  	v3 =	vand.u32 $0x7, v3;
	v4 =	vand.u32 $0xFFFFFFF0, v29  }
0xa1: {  	v3 =	vor.u32 v3, v4  }
0xa2: {  	v4 =	vperm.xlane v3, v0;
	_ =	sdelay $0x1  }
0xa3: {  	v3 =	vperm.xlane v3, v2;
	v4 =	vadd.s32 v1, v4;
	_ =	sdelay $0x1  }
0xa4: {  	v3 =	vadd.s32 v1, v3;
	_ =	sdelay $0x1  }
0xa5: {  	s15 =	simm.s32 $0xD400  }
0xa6: {  	[tilespmem:s15], [sflag:$0x2] =	stream.indirect_vreg.gather [hbm4b:s1+s3], $0x80, v4, vm0, $0xb8;
	[tilespmem:$0x10400] =	vst v63  }
0xa7: {  	s15 =	simm.s32 $0xDC00  }
0xa8: {  	[tilespmem:s15], [sflag:$0x2] =	stream.indirect_vreg.gather [hbm4b:s1+s3], $0x80, v3, vm0, $0xb8;
	[tilespmem:$0x10400] =	vst v63  }
0xa9: {  	v3 =	vld [tilespmem:$0xE0];
	_ =	sdelay $0x4  }
0xaa: {  	v30 =	vshll.u32 v3, $0x1  }
0xab: {  	v3 =	vand.u32 $0x7, v3;
	v4 =	vand.u32 $0xFFFFFFF0, v30  }
0xac: {  	v3 =	vor.u32 v3, v4  }
0xad: {  	v4 =	vperm.xlane v3, v0;
	_ =	sdelay $0x1  }
0xae: {  	v3 =	vperm.xlane v3, v2;
	v4 =	vadd.s32 v1, v4;
	_ =	sdelay $0x1  }
0xaf: {  	v3 =	vadd.s32 v1, v3;
	_ =	sdelay $0x1  }
0xb0: {  	s15 =	simm.s32 $0xE400  }
0xb1: {  	[tilespmem:s15], [sflag:$0x2] =	stream.indirect_vreg.gather [hbm4b:s1+s3], $0x80, v4, vm0, $0xb8;
	[tilespmem:$0x10400] =	vst v63  }
0xb2: {  	s15 =	simm.s32 $0xEC00  }
0xb3: {  	[tilespmem:s15], [sflag:$0x2] =	stream.indirect_vreg.gather [hbm4b:s1+s3], $0x80, v3, vm0, $0xb8;
	[tilespmem:$0x10400] =	vst v63  }
0xb4: {  	v3 =	vld [tilespmem:$0xF0];
	_ =	sdelay $0x4  }
0xb5: {  	v31 =	vshll.u32 v3, $0x1  }
0xb6: {  	v3 =	vand.u32 $0x7, v3;
	v4 =	vand.u32 $0xFFFFFFF0, v31  }
0xb7: {  	v3 =	vor.u32 v3, v4  }
0xb8: {  	v4 =	vperm.xlane v3, v0;
	_ =	sdelay $0x1  }
0xb9: {  	v3 =	vperm.xlane v3, v2;
	v4 =	vadd.s32 v1, v4;
	_ =	sdelay $0x1  }
0xba: {  	v3 =	vadd.s32 v1, v3;
	_ =	sdelay $0x1  }
0xbb: {  	s15 =	simm.s32 $0xF400  }
0xbc: {  	[tilespmem:s15], [sflag:$0x2] =	stream.indirect_vreg.gather [hbm4b:s1+s3], $0x80, v4, vm0, $0xb8;
	[tilespmem:$0x10400] =	vst v63  }
0xbd: {  	s15 =	simm.s32 $0xFC00  }
0xbe: {  	[tilespmem:s15], [sflag:$0x2] =	stream.indirect_vreg.gather [hbm4b:s1+s3], $0x80, v3, vm0, $0xb8;
	[tilespmem:$0x10400] =	vst v63  }
0xbf: {  	_ =	swait.ge [sflag:s13], $0x8000  }
0xc0: {  	[sflag:s13] =	ssyncset.done $0x0  }
0xc1: {  	s15 =	rddreg [dreg:$0xa];
	[sflag:s13] =	ssyncadd.s32 $0xFFFF8000  }
0xc2: {  	[hbm4b:s15+s3] =	stream.linear.scatter [tilespmem:s23], [sflag:$0x3], $0x8000, $0x38;
	[tilespmem:$0x10400] =	vst v63  }
0xc3: {  	_ =	swait.ge [sflag:s6], $0x8000  }
0xc4: {  	[sflag:s6] =	ssyncset.done $0x0  }
0xc5: {  	[sflag:s6] =	ssyncadd.s32 $0xFFFF8000  }
0xc6: {  	v3 =	vld [tilespmem:$0x100];
	_ =	sdelay $0x4  }
0xc7: {  	v32 =	vshll.u32 v3, $0x1  }
0xc8: {  	v3 =	vand.u32 $0x7, v3;
	v4 =	vand.u32 $0xFFFFFFF0, v32  }
0xc9: {  	v3 =	vor.u32 v3, v4  }
0xca: {  	v4 =	vperm.xlane v3, v0;
	_ =	sdelay $0x1  }
0xcb: {  	v3 =	vperm.xlane v3, v2;
	v4 =	vadd.s32 v1, v4;
	_ =	sdelay $0x1  }
0xcc: {  	v3 =	vadd.s32 v1, v3;
	_ =	sdelay $0x2  }
0xcd: {  	[tilespmem:s23], [sflag:$0x1] =	stream.indirect_vreg.gather [hbm4b:s1+s3], $0x80, v4, vm0, $0xb8;
	[tilespmem:$0x10400] =	vst v63  }
0xce: {  	_ = 	snop  }
0xcf: {  	[tilespmem:s16], [sflag:$0x1] =	stream.indirect_vreg.gather [hbm4b:s1+s3], $0x80, v3, vm0, $0xb8;
	[tilespmem:$0x10400] =	vst v63  }
0xd0: {  	v3 =	vld [tilespmem:$0x110];
	_ =	sdelay $0x4  }
0xd1: {  	v33 =	vshll.u32 v3, $0x1  }
0xd2: {  	v3 =	vand.u32 $0x7, v3;
	v4 =	vand.u32 $0xFFFFFFF0, v33  }
0xd3: {  	v3 =	vor.u32 v3, v4  }
0xd4: {  	v4 =	vperm.xlane v3, v0;
	_ =	sdelay $0x1  }
0xd5: {  	v3 =	vperm.xlane v3, v2;
	v4 =	vadd.s32 v1, v4;
	_ =	sdelay $0x1  }
0xd6: {  	v3 =	vadd.s32 v1, v3;
	_ =	sdelay $0x2  }
0xd7: {  	[tilespmem:s17], [sflag:$0x1] =	stream.indirect_vreg.gather [hbm4b:s1+s3], $0x80, v4, vm0, $0xb8;
	[tilespmem:$0x10400] =	vst v63  }
0xd8: {  	_ = 	snop  }
0xd9: {  	[tilespmem:s18], [sflag:$0x1] =	stream.indirect_vreg.gather [hbm4b:s1+s3], $0x80, v3, vm0, $0xb8;
	[tilespmem:$0x10400] =	vst v63  }
0xda: {  	v3 =	vld [tilespmem:$0x120];
	_ =	sdelay $0x4  }
0xdb: {  	v34 =	vshll.u32 v3, $0x1  }
0xdc: {  	v3 =	vand.u32 $0x7, v3;
	v4 =	vand.u32 $0xFFFFFFF0, v34  }
0xdd: {  	v3 =	vor.u32 v3, v4  }
0xde: {  	v4 =	vperm.xlane v3, v0;
	_ =	sdelay $0x1  }
0xdf: {  	v3 =	vperm.xlane v3, v2;
	v4 =	vadd.s32 v1, v4;
	_ =	sdelay $0x1  }
0xe0: {  	v3 =	vadd.s32 v1, v3;
	_ =	sdelay $0x2  }
0xe1: {  	[tilespmem:s19], [sflag:$0x1] =	stream.indirect_vreg.gather [hbm4b:s1+s3], $0x80, v4, vm0, $0xb8;
	[tilespmem:$0x10400] =	vst v63  }
0xe2: {  	_ = 	snop  }
0xe3: {  	[tilespmem:s20], [sflag:$0x1] =	stream.indirect_vreg.gather [hbm4b:s1+s3], $0x80, v3, vm0, $0xb8;
	[tilespmem:$0x10400] =	vst v63  }
0xe4: {  	v3 =	vld [tilespmem:$0x130];
	_ =	sdelay $0x4  }
0xe5: {  	v35 =	vshll.u32 v3, $0x1  }
0xe6: {  	v3 =	vand.u32 $0x7, v3;
	v4 =	vand.u32 $0xFFFFFFF0, v35  }
0xe7: {  	v3 =	vor.u32 v3, v4  }
0xe8: {  	v4 =	vperm.xlane v3, v0;
	_ =	sdelay $0x1  }
0xe9: {  	v3 =	vperm.xlane v3, v2;
	v4 =	vadd.s32 v1, v4;
	_ =	sdelay $0x1  }
0xea: {  	v3 =	vadd.s32 v1, v3;
	_ =	sdelay $0x2  }
0xeb: {  	[tilespmem:s21], [sflag:$0x1] =	stream.indirect_vreg.gather [hbm4b:s1+s3], $0x80, v4, vm0, $0xb8;
	[tilespmem:$0x10400] =	vst v63  }
0xec: {  	_ = 	snop  }
0xed: {  	[tilespmem:s22], [sflag:$0x1] =	stream.indirect_vreg.gather [hbm4b:s1+s3], $0x80, v3, vm0, $0xb8;
	[tilespmem:$0x10400] =	vst v63  }
0xee: {  	v3 =	vld [tilespmem:$0x140];
	_ =	sdelay $0x4  }
0xef: {  	v36 =	vshll.u32 v3, $0x1  }
0xf0: {  	v3 =	vand.u32 $0x7, v3;
	v4 =	vand.u32 $0xFFFFFFF0, v36  }
0xf1: {  	v3 =	vor.u32 v3, v4  }
0xf2: {  	v4 =	vperm.xlane v3, v0;
	_ =	sdelay $0x1  }
0xf3: {  	v3 =	vperm.xlane v3, v2;
	v4 =	vadd.s32 v1, v4;
	_ =	sdelay $0x1  }
0xf4: {  	v3 =	vadd.s32 v1, v3;
	_ =	sdelay $0x2  }
0xf5: {  	[tilespmem:s24], [sflag:$0x1] =	stream.indirect_vreg.gather [hbm4b:s1+s3], $0x80, v4, vm0, $0xb8;
	[tilespmem:$0x10400] =	vst v63  }
0xf6: {  	_ = 	snop  }
0xf7: {  	[tilespmem:s25], [sflag:$0x1] =	stream.indirect_vreg.gather [hbm4b:s1+s3], $0x80, v3, vm0, $0xb8;
	[tilespmem:$0x10400] =	vst v63  }
0xf8: {  	v3 =	vld [tilespmem:$0x150];
	_ =	sdelay $0x4  }
0xf9: {  	v37 =	vshll.u32 v3, $0x1  }
0xfa: {  	v3 =	vand.u32 $0x7, v3;
	v4 =	vand.u32 $0xFFFFFFF0, v37  }
0xfb: {  	v3 =	vor.u32 v3, v4  }
0xfc: {  	v4 =	vperm.xlane v3, v0;
	_ =	sdelay $0x1  }
0xfd: {  	v3 =	vperm.xlane v3, v2;
	v4 =	vadd.s32 v1, v4;
	_ =	sdelay $0x1  }
0xfe: {  	v3 =	vadd.s32 v1, v3;
	_ =	sdelay $0x2  }
0xff: {  	[tilespmem:s26], [sflag:$0x1] =	stream.indirect_vreg.gather [hbm4b:s1+s3], $0x80, v4, vm0, $0xb8;
	[tilespmem:$0x10400] =	vst v63  }
0x100: {  	_ = 	snop  }
0x101: {  	[tilespmem:s28], [sflag:$0x1] =	stream.indirect_vreg.gather [hbm4b:s1+s3], $0x80, v3, vm0, $0xb8;
	[tilespmem:$0x10400] =	vst v63  }
0x102: {  	v3 =	vld [tilespmem:$0x160];
	_ =	sdelay $0x4  }
0x103: {  	v38 =	vshll.u32 v3, $0x1  }
0x104: {  	v3 =	vand.u32 $0x7, v3;
	v4 =	vand.u32 $0xFFFFFFF0, v38  }
0x105: {  	v3 =	vor.u32 v3, v4  }
0x106: {  	v4 =	vperm.xlane v3, v0;
	_ =	sdelay $0x1  }
0x107: {  	v3 =	vperm.xlane v3, v2;
	v4 =	vadd.s32 v1, v4;
	_ =	sdelay $0x1  }
0x108: {  	v3 =	vadd.s32 v1, v3;
	_ =	sdelay $0x2  }
0x109: {  	[tilespmem:s29], [sflag:$0x1] =	stream.indirect_vreg.gather [hbm4b:s1+s3], $0x80, v4, vm0, $0xb8;
	[tilespmem:$0x10400] =	vst v63  }
0x10a: {  	_ = 	snop  }
0x10b: {  	[tilespmem:s30], [sflag:$0x1] =	stream.indirect_vreg.gather [hbm4b:s1+s3], $0x80, v3, vm0, $0xb8;
	[tilespmem:$0x10400] =	vst v63  }
0x10c: {  	v3 =	vld [tilespmem:$0x170];
	_ =	sdelay $0x4  }
0x10d: {  	v39 =	vshll.u32 v3, $0x1  }
0x10e: {  	v3 =	vand.u32 $0x7, v3;
	v4 =	vand.u32 $0xFFFFFFF0, v39  }
0x10f: {  	v3 =	vor.u32 v3, v4  }
0x110: {  	v4 =	vperm.xlane v3, v0;
	_ =	sdelay $0x1  }
0x111: {  	v3 =	vperm.xlane v3, v2;
	v4 =	vadd.s32 v1, v4;
	_ =	sdelay $0x1  }
0x112: {  	v3 =	vadd.s32 v1, v3;
	_ =	sdelay $0x2  }
0x113: {  	[tilespmem:s31], [sflag:$0x1] =	stream.indirect_vreg.gather [hbm4b:s1+s3], $0x80, v4, vm0, $0xb8;
	[tilespmem:$0x10400] =	vst v63  }
0x114: {  	_ = 	snop  }
0x115: {  	[tilespmem:s2], [sflag:$0x1] =	stream.indirect_vreg.gather [hbm4b:s1+s3], $0x80, v3, vm0, $0xb8;
	[tilespmem:$0x10400] =	vst v63  }
0x116: {  	_ =	swait.ge [sflag:s14], $0x8000  }
0x117: {  	[sflag:s14] =	ssyncset.done $0x0  }
0x118: {  	s15 =	rddreg [dreg:$0x5];
	[sflag:s14] =	ssyncadd.s32 $0xFFFF8000  }
0x119: {  	[hbm4b:s15+s3] =	stream.linear.scatter [tilespmem:s0], [sflag:$0x3], $0x8000, $0x38;
	[tilespmem:$0x10400] =	vst v63  }
0x11a: {  	_ =	swait.ge [sflag:s6], $0x8000  }
0x11b: {  	[sflag:s6] =	ssyncset.done $0x0  }
0x11c: {  	[sflag:s6] =	ssyncadd.s32 $0xFFFF8000  }
0x11d: {  	v3 =	vld [tilespmem:$0x180];
	_ =	sdelay $0x4  }
0x11e: {  	v40 =	vshll.u32 v3, $0x1  }
0x11f: {  	v3 =	vand.u32 $0x7, v3;
	v4 =	vand.u32 $0xFFFFFFF0, v40  }
0x120: {  	v3 =	vor.u32 v3, v4  }
0x121: {  	v4 =	vperm.xlane v3, v0;
	_ =	sdelay $0x1  }
0x122: {  	v3 =	vperm.xlane v3, v2;
	v4 =	vadd.s32 v1, v4;
	_ =	sdelay $0x1  }
0x123: {  	v3 =	vadd.s32 v1, v3;
	_ =	sdelay $0x2  }
0x124: {  	[tilespmem:s0], [sflag:$0x2] =	stream.indirect_vreg.gather [hbm4b:s1+s3], $0x80, v4, vm0, $0xb8;
	[tilespmem:$0x10400] =	vst v63  }
0x125: {  	s15 =	simm.s32 $0x8C00  }
0x126: {  	[tilespmem:s15], [sflag:$0x2] =	stream.indirect_vreg.gather [hbm4b:s1+s3], $0x80, v3, vm0, $0xb8;
	[tilespmem:$0x10400] =	vst v63  }
0x127: {  	v3 =	vld [tilespmem:$0x190];
	_ =	sdelay $0x4  }
0x128: {  	v41 =	vshll.u32 v3, $0x1  }
0x129: {  	v3 =	vand.u32 $0x7, v3;
	v4 =	vand.u32 $0xFFFFFFF0, v41  }
0x12a: {  	v3 =	vor.u32 v3, v4  }
0x12b: {  	v4 =	vperm.xlane v3, v0;
	_ =	sdelay $0x1  }
0x12c: {  	v3 =	vperm.xlane v3, v2;
	v4 =	vadd.s32 v1, v4;
	_ =	sdelay $0x1  }
0x12d: {  	v3 =	vadd.s32 v1, v3;
	_ =	sdelay $0x2  }
0x12e: {  	[tilespmem:s4], [sflag:$0x2] =	stream.indirect_vreg.gather [hbm4b:s1+s3], $0x80, v4, vm0, $0xb8;
	[tilespmem:$0x10400] =	vst v63  }
0x12f: {  	_ = 	snop  }
0x130: {  	[tilespmem:s8], [sflag:$0x2] =	stream.indirect_vreg.gather [hbm4b:s1+s3], $0x80, v3, vm0, $0xb8;
	[tilespmem:$0x10400] =	vst v63  }
0x131: {  	v3 =	vld [tilespmem:$0x1A0];
	_ =	sdelay $0x4  }
0x132: {  	v42 =	vshll.u32 v3, $0x1  }
0x133: {  	v3 =	vand.u32 $0x7, v3;
	v4 =	vand.u32 $0xFFFFFFF0, v42  }
0x134: {  	v3 =	vor.u32 v3, v4  }
0x135: {  	v4 =	vperm.xlane v3, v0;
	_ =	sdelay $0x1  }
0x136: {  	v3 =	vperm.xlane v3, v2;
	v4 =	vadd.s32 v1, v4;
	_ =	sdelay $0x1  }
0x137: {  	v3 =	vadd.s32 v1, v3;
	_ =	sdelay $0x2  }
0x138: {  	[tilespmem:s9], [sflag:$0x2] =	stream.indirect_vreg.gather [hbm4b:s1+s3], $0x80, v4, vm0, $0xb8;
	[tilespmem:$0x10400] =	vst v63  }
0x139: {  	_ = 	snop  }
0x13a: {  	[tilespmem:s10], [sflag:$0x2] =	stream.indirect_vreg.gather [hbm4b:s1+s3], $0x80, v3, vm0, $0xb8;
	[tilespmem:$0x10400] =	vst v63  }
0x13b: {  	v3 =	vld [tilespmem:$0x1B0];
	_ =	sdelay $0x4  }
0x13c: {  	v43 =	vshll.u32 v3, $0x1  }
0x13d: {  	v3 =	vand.u32 $0x7, v3;
	v4 =	vand.u32 $0xFFFFFFF0, v43  }
0x13e: {  	v3 =	vor.u32 v3, v4  }
0x13f: {  	v4 =	vperm.xlane v3, v0;
	_ =	sdelay $0x1  }
0x140: {  	v3 =	vperm.xlane v3, v2;
	v4 =	vadd.s32 v1, v4;
	_ =	sdelay $0x1  }
0x141: {  	v3 =	vadd.s32 v1, v3;
	_ =	sdelay $0x2  }
0x142: {  	[tilespmem:s11], [sflag:$0x2] =	stream.indirect_vreg.gather [hbm4b:s1+s3], $0x80, v4, vm0, $0xb8;
	[tilespmem:$0x10400] =	vst v63  }
0x143: {  	_ = 	snop  }
0x144: {  	[tilespmem:s12], [sflag:$0x2] =	stream.indirect_vreg.gather [hbm4b:s1+s3], $0x80, v3, vm0, $0xb8;
	[tilespmem:$0x10400] =	vst v63  }
0x145: {  	v3 =	vld [tilespmem:$0x1C0];
	_ =	sdelay $0x4  }
0x146: {  	v44 =	vshll.u32 v3, $0x1  }
0x147: {  	v3 =	vand.u32 $0x7, v3;
	v4 =	vand.u32 $0xFFFFFFF0, v44  }
0x148: {  	v3 =	vor.u32 v3, v4  }
0x149: {  	v4 =	vperm.xlane v3, v0;
	_ =	sdelay $0x1  }
0x14a: {  	v3 =	vperm.xlane v3, v2;
	v4 =	vadd.s32 v1, v4;
	_ =	sdelay $0x1  }
0x14b: {  	v3 =	vadd.s32 v1, v3;
	_ =	sdelay $0x2  }
0x14c: {  	[tilespmem:s7], [sflag:$0x2] =	stream.indirect_vreg.gather [hbm4b:s1+s3], $0x80, v4, vm0, $0xb8;
	[tilespmem:$0x10400] =	vst v63  }
0x14d: {  	s15 =	simm.s32 $0xCC00  }
0x14e: {  	[tilespmem:s15], [sflag:$0x2] =	stream.indirect_vreg.gather [hbm4b:s1+s3], $0x80, v3, vm0, $0xb8;
	[tilespmem:$0x10400] =	vst v63  }
0x14f: {  	v3 =	vld [tilespmem:$0x1D0];
	_ =	sdelay $0x4  }
0x150: {  	v45 =	vshll.u32 v3, $0x1  }
0x151: {  	v3 =	vand.u32 $0x7, v3;
	v4 =	vand.u32 $0xFFFFFFF0, v45  }
0x152: {  	v3 =	vor.u32 v3, v4  }
0x153: {  	v4 =	vperm.xlane v3, v0;
	_ =	sdelay $0x1  }
0x154: {  	v3 =	vperm.xlane v3, v2;
	v4 =	vadd.s32 v1, v4;
	_ =	sdelay $0x1  }
0x155: {  	v3 =	vadd.s32 v1, v3;
	_ =	sdelay $0x1  }
0x156: {  	s15 =	simm.s32 $0xD400  }
0x157: {  	[tilespmem:s15], [sflag:$0x2] =	stream.indirect_vreg.gather [hbm4b:s1+s3], $0x80, v4, vm0, $0xb8;
	[tilespmem:$0x10400] =	vst v63  }
0x158: {  	s15 =	simm.s32 $0xDC00  }
0x159: {  	[tilespmem:s15], [sflag:$0x2] =	stream.indirect_vreg.gather [hbm4b:s1+s3], $0x80, v3, vm0, $0xb8;
	[tilespmem:$0x10400] =	vst v63  }
0x15a: {  	v3 =	vld [tilespmem:$0x1E0];
	_ =	sdelay $0x4  }
0x15b: {  	v46 =	vshll.u32 v3, $0x1  }
0x15c: {  	v3 =	vand.u32 $0x7, v3;
	v4 =	vand.u32 $0xFFFFFFF0, v46  }
0x15d: {  	v3 =	vor.u32 v3, v4  }
0x15e: {  	v4 =	vperm.xlane v3, v0;
	_ =	sdelay $0x1  }
0x15f: {  	v3 =	vperm.xlane v3, v2;
	v4 =	vadd.s32 v1, v4;
	_ =	sdelay $0x1  }
0x160: {  	v3 =	vadd.s32 v1, v3;
	_ =	sdelay $0x1  }
0x161: {  	s15 =	simm.s32 $0xE400  }
0x162: {  	[tilespmem:s15], [sflag:$0x2] =	stream.indirect_vreg.gather [hbm4b:s1+s3], $0x80, v4, vm0, $0xb8;
	[tilespmem:$0x10400] =	vst v63  }
0x163: {  	s15 =	simm.s32 $0xEC00  }
0x164: {  	[tilespmem:s15], [sflag:$0x2] =	stream.indirect_vreg.gather [hbm4b:s1+s3], $0x80, v3, vm0, $0xb8;
	[tilespmem:$0x10400] =	vst v63  }
0x165: {  	v3 =	vld [tilespmem:$0x1F0];
	_ =	sdelay $0x4  }
0x166: {  	v47 =	vshll.u32 v3, $0x1  }
0x167: {  	v3 =	vand.u32 $0x7, v3;
	v4 =	vand.u32 $0xFFFFFFF0, v47  }
0x168: {  	v3 =	vor.u32 v3, v4  }
0x169: {  	v4 =	vperm.xlane v3, v0;
	_ =	sdelay $0x1  }
0x16a: {  	v3 =	vperm.xlane v3, v2;
	v4 =	vadd.s32 v1, v4;
	_ =	sdelay $0x1  }
0x16b: {  	v3 =	vadd.s32 v1, v3;
	_ =	sdelay $0x1  }
0x16c: {  	s15 =	simm.s32 $0xF400  }
0x16d: {  	[tilespmem:s15], [sflag:$0x2] =	stream.indirect_vreg.gather [hbm4b:s1+s3], $0x80, v4, vm0, $0xb8;
	[tilespmem:$0x10400] =	vst v63  }
0x16e: {  	s15 =	simm.s32 $0xFC00  }
0x16f: {  	[tilespmem:s15], [sflag:$0x2] =	stream.indirect_vreg.gather [hbm4b:s1+s3], $0x80, v3, vm0, $0xb8;
	[tilespmem:$0x10400] =	vst v63  }
0x170: {  	_ =	swait.ge [sflag:s13], $0x8000  }
0x171: {  	[sflag:s13] =	ssyncset.done $0x0  }
0x172: {  	s15 =	rddreg [dreg:$0x6];
	[sflag:s13] =	ssyncadd.s32 $0xFFFF8000  }
0x173: {  	[hbm4b:s15+s3] =	stream.linear.scatter [tilespmem:s23], [sflag:$0x3], $0x8000, $0x38;
	[tilespmem:$0x10400] =	vst v63  }
0x174: {  	_ =	swait.ge [sflag:s6], $0x8000  }
0x175: {  	[sflag:s6] =	ssyncset.done $0x0  }
0x176: {  	[sflag:s6] =	ssyncadd.s32 $0xFFFF8000  }
0x177: {  	v3 =	vld [tilespmem:$0x200];
	_ =	sdelay $0x4  }
0x178: {  	v48 =	vshll.u32 v3, $0x1  }
0x179: {  	v3 =	vand.u32 $0x7, v3;
	v4 =	vand.u32 $0xFFFFFFF0, v48  }
0x17a: {  	v3 =	vor.u32 v3, v4  }
0x17b: {  	v4 =	vperm.xlane v3, v0;
	_ =	sdelay $0x1  }
0x17c: {  	v3 =	vperm.xlane v3, v2;
	v4 =	vadd.s32 v1, v4;
	_ =	sdelay $0x1  }
0x17d: {  	v3 =	vadd.s32 v1, v3;
	_ =	sdelay $0x2  }
0x17e: {  	[tilespmem:s23], [sflag:$0x1] =	stream.indirect_vreg.gather [hbm4b:s1+s3], $0x80, v4, vm0, $0xb8;
	[tilespmem:$0x10400] =	vst v63  }
0x17f: {  	_ = 	snop  }
0x180: {  	[tilespmem:s16], [sflag:$0x1] =	stream.indirect_vreg.gather [hbm4b:s1+s3], $0x80, v3, vm0, $0xb8;
	[tilespmem:$0x10400] =	vst v63  }
0x181: {  	v3 =	vld [tilespmem:$0x210];
	_ =	sdelay $0x4  }
0x182: {  	v49 =	vshll.u32 v3, $0x1  }
0x183: {  	v3 =	vand.u32 $0x7, v3;
	v4 =	vand.u32 $0xFFFFFFF0, v49  }
0x184: {  	v3 =	vor.u32 v3, v4  }
0x185: {  	v4 =	vperm.xlane v3, v0;
	_ =	sdelay $0x1  }
0x186: {  	v3 =	vperm.xlane v3, v2;
	v4 =	vadd.s32 v1, v4;
	_ =	sdelay $0x1  }
0x187: {  	v3 =	vadd.s32 v1, v3;
	_ =	sdelay $0x2  }
0x188: {  	[tilespmem:s17], [sflag:$0x1] =	stream.indirect_vreg.gather [hbm4b:s1+s3], $0x80, v4, vm0, $0xb8;
	[tilespmem:$0x10400] =	vst v63  }
0x189: {  	_ = 	snop  }
0x18a: {  	[tilespmem:s18], [sflag:$0x1] =	stream.indirect_vreg.gather [hbm4b:s1+s3], $0x80, v3, vm0, $0xb8;
	[tilespmem:$0x10400] =	vst v63  }
0x18b: {  	v3 =	vld [tilespmem:$0x220];
	_ =	sdelay $0x4  }
0x18c: {  	v50 =	vshll.u32 v3, $0x1  }
0x18d: {  	v3 =	vand.u32 $0x7, v3;
	v4 =	vand.u32 $0xFFFFFFF0, v50  }
0x18e: {  	v3 =	vor.u32 v3, v4  }
0x18f: {  	v4 =	vperm.xlane v3, v0;
	_ =	sdelay $0x1  }
0x190: {  	v3 =	vperm.xlane v3, v2;
	v4 =	vadd.s32 v1, v4;
	_ =	sdelay $0x1  }
0x191: {  	v3 =	vadd.s32 v1, v3;
	_ =	sdelay $0x2  }
0x192: {  	[tilespmem:s19], [sflag:$0x1] =	stream.indirect_vreg.gather [hbm4b:s1+s3], $0x80, v4, vm0, $0xb8;
	[tilespmem:$0x10400] =	vst v63  }
0x193: {  	_ = 	snop  }
0x194: {  	[tilespmem:s20], [sflag:$0x1] =	stream.indirect_vreg.gather [hbm4b:s1+s3], $0x80, v3, vm0, $0xb8;
	[tilespmem:$0x10400] =	vst v63  }
0x195: {  	v3 =	vld [tilespmem:$0x230];
	_ =	sdelay $0x4  }
0x196: {  	v51 =	vshll.u32 v3, $0x1  }
0x197: {  	v3 =	vand.u32 $0x7, v3;
	v4 =	vand.u32 $0xFFFFFFF0, v51  }
0x198: {  	v3 =	vor.u32 v3, v4  }
0x199: {  	v4 =	vperm.xlane v3, v0;
	_ =	sdelay $0x1  }
0x19a: {  	v3 =	vperm.xlane v3, v2;
	v4 =	vadd.s32 v1, v4;
	_ =	sdelay $0x1  }
0x19b: {  	v3 =	vadd.s32 v1, v3;
	_ =	sdelay $0x2  }
0x19c: {  	[tilespmem:s21], [sflag:$0x1] =	stream.indirect_vreg.gather [hbm4b:s1+s3], $0x80, v4, vm0, $0xb8;
	[tilespmem:$0x10400] =	vst v63  }
0x19d: {  	_ = 	snop  }
0x19e: {  	[tilespmem:s22], [sflag:$0x1] =	stream.indirect_vreg.gather [hbm4b:s1+s3], $0x80, v3, vm0, $0xb8;
	[tilespmem:$0x10400] =	vst v63  }
0x19f: {  	v3 =	vld [tilespmem:$0x240];
	_ =	sdelay $0x4  }
0x1a0: {  	v52 =	vshll.u32 v3, $0x1  }
0x1a1: {  	v3 =	vand.u32 $0x7, v3;
	v4 =	vand.u32 $0xFFFFFFF0, v52  }
0x1a2: {  	v3 =	vor.u32 v3, v4  }
0x1a3: {  	v4 =	vperm.xlane v3, v0;
	_ =	sdelay $0x1  }
0x1a4: {  	v3 =	vperm.xlane v3, v2;
	v4 =	vadd.s32 v1, v4;
	_ =	sdelay $0x1  }
0x1a5: {  	v3 =	vadd.s32 v1, v3;
	_ =	sdelay $0x2  }
0x1a6: {  	[tilespmem:s24], [sflag:$0x1] =	stream.indirect_vreg.gather [hbm4b:s1+s3], $0x80, v4, vm0, $0xb8;
	[tilespmem:$0x10400] =	vst v63  }
0x1a7: {  	_ = 	snop  }
0x1a8: {  	[tilespmem:s25], [sflag:$0x1] =	stream.indirect_vreg.gather [hbm4b:s1+s3], $0x80, v3, vm0, $0xb8;
	[tilespmem:$0x10400] =	vst v63  }
0x1a9: {  	v3 =	vld [tilespmem:$0x250];
	_ =	sdelay $0x4  }
0x1aa: {  	v53 =	vshll.u32 v3, $0x1  }
0x1ab: {  	v3 =	vand.u32 $0x7, v3;
	v4 =	vand.u32 $0xFFFFFFF0, v53  }
0x1ac: {  	v3 =	vor.u32 v3, v4  }
0x1ad: {  	v4 =	vperm.xlane v3, v0;
	_ =	sdelay $0x1  }
0x1ae: {  	v3 =	vperm.xlane v3, v2;
	v4 =	vadd.s32 v1, v4;
	_ =	sdelay $0x1  }
0x1af: {  	v3 =	vadd.s32 v1, v3;
	_ =	sdelay $0x2  }
0x1b0: {  	[tilespmem:s26], [sflag:$0x1] =	stream.indirect_vreg.gather [hbm4b:s1+s3], $0x80, v4, vm0, $0xb8;
	[tilespmem:$0x10400] =	vst v63  }
0x1b1: {  	_ = 	snop  }
0x1b2: {  	[tilespmem:s28], [sflag:$0x1] =	stream.indirect_vreg.gather [hbm4b:s1+s3], $0x80, v3, vm0, $0xb8;
	[tilespmem:$0x10400] =	vst v63  }
0x1b3: {  	v3 =	vld [tilespmem:$0x260];
	_ =	sdelay $0x4  }
0x1b4: {  	v54 =	vshll.u32 v3, $0x1  }
0x1b5: {  	v3 =	vand.u32 $0x7, v3;
	v4 =	vand.u32 $0xFFFFFFF0, v54  }
0x1b6: {  	v3 =	vor.u32 v3, v4  }
0x1b7: {  	v4 =	vperm.xlane v3, v0;
	_ =	sdelay $0x1  }
0x1b8: {  	v3 =	vperm.xlane v3, v2;
	v4 =	vadd.s32 v1, v4;
	_ =	sdelay $0x1  }
0x1b9: {  	v3 =	vadd.s32 v1, v3;
	_ =	sdelay $0x2  }
0x1ba: {  	[tilespmem:s29], [sflag:$0x1] =	stream.indirect_vreg.gather [hbm4b:s1+s3], $0x80, v4, vm0, $0xb8;
	[tilespmem:$0x10400] =	vst v63  }
0x1bb: {  	_ = 	snop  }
0x1bc: {  	[tilespmem:s30], [sflag:$0x1] =	stream.indirect_vreg.gather [hbm4b:s1+s3], $0x80, v3, vm0, $0xb8;
	[tilespmem:$0x10400] =	vst v63  }
0x1bd: {  	v3 =	vld [tilespmem:$0x270];
	_ =	sdelay $0x4  }
0x1be: {  	v55 =	vshll.u32 v3, $0x1  }
0x1bf: {  	v3 =	vand.u32 $0x7, v3;
	v4 =	vand.u32 $0xFFFFFFF0, v55  }
0x1c0: {  	v3 =	vor.u32 v3, v4  }
0x1c1: {  	v4 =	vperm.xlane v3, v0;
	_ =	sdelay $0x1  }
0x1c2: {  	v3 =	vperm.xlane v3, v2;
	v4 =	vadd.s32 v1, v4;
	_ =	sdelay $0x1  }
0x1c3: {  	v3 =	vadd.s32 v1, v3;
	_ =	sdelay $0x2  }
0x1c4: {  	[tilespmem:s31], [sflag:$0x1] =	stream.indirect_vreg.gather [hbm4b:s1+s3], $0x80, v4, vm0, $0xb8;
	[tilespmem:$0x10400] =	vst v63  }
0x1c5: {  	_ = 	snop  }
0x1c6: {  	[tilespmem:s2], [sflag:$0x1] =	stream.indirect_vreg.gather [hbm4b:s1+s3], $0x80, v3, vm0, $0xb8;
	[tilespmem:$0x10400] =	vst v63  }
0x1c7: {  	_ =	swait.ge [sflag:s14], $0x8000  }
0x1c8: {  	[sflag:s14] =	ssyncset.done $0x0  }
0x1c9: {  	s2 =	rddreg [dreg:$0x7];
	[sflag:s14] =	ssyncadd.s32 $0xFFFF8000  }
0x1ca: {  	[hbm4b:s2+s3] =	stream.linear.scatter [tilespmem:s0], [sflag:$0x3], $0x8000, $0x38;
	[tilespmem:$0x10400] =	vst v63  }
0x1cb: {  	_ =	swait.ge [sflag:s6], $0x8000  }
0x1cc: {  	[sflag:s6] =	ssyncset.done $0x0  }
0x1cd: {  	[sflag:s6] =	ssyncadd.s32 $0xFFFF8000  }
0x1ce: {  	v3 =	vld [tilespmem:$0x280];
	_ =	sdelay $0x4  }
0x1cf: {  	v56 =	vshll.u32 v3, $0x1  }
0x1d0: {  	v3 =	vand.u32 $0x7, v3;
	v4 =	vand.u32 $0xFFFFFFF0, v56  }
0x1d1: {  	v3 =	vor.u32 v3, v4  }
0x1d2: {  	v4 =	vperm.xlane v3, v0;
	_ =	sdelay $0x1  }
0x1d3: {  	v3 =	vperm.xlane v3, v2;
	v4 =	vadd.s32 v1, v4;
	_ =	sdelay $0x1  }
0x1d4: {  	v3 =	vadd.s32 v1, v3;
	_ =	sdelay $0x2  }
0x1d5: {  	[tilespmem:s0], [sflag:$0x2] =	stream.indirect_vreg.gather [hbm4b:s1+s3], $0x80, v4, vm0, $0xb8;
	[tilespmem:$0x10400] =	vst v63  }
0x1d6: {  	s15 =	simm.s32 $0x8C00  }
0x1d7: {  	[tilespmem:s15], [sflag:$0x2] =	stream.indirect_vreg.gather [hbm4b:s1+s3], $0x80, v3, vm0, $0xb8;
	[tilespmem:$0x10400] =	vst v63  }
0x1d8: {  	v3 =	vld [tilespmem:$0x290];
	_ =	sdelay $0x4  }
0x1d9: {  	v57 =	vshll.u32 v3, $0x1  }
0x1da: {  	v3 =	vand.u32 $0x7, v3;
	v4 =	vand.u32 $0xFFFFFFF0, v57  }
0x1db: {  	v3 =	vor.u32 v3, v4  }
0x1dc: {  	v4 =	vperm.xlane v3, v0;
	_ =	sdelay $0x1  }
0x1dd: {  	v3 =	vperm.xlane v3, v2;
	v4 =	vadd.s32 v1, v4;
	_ =	sdelay $0x1  }
0x1de: {  	v3 =	vadd.s32 v1, v3;
	_ =	sdelay $0x2  }
0x1df: {  	[tilespmem:s4], [sflag:$0x2] =	stream.indirect_vreg.gather [hbm4b:s1+s3], $0x80, v4, vm0, $0xb8;
	[tilespmem:$0x10400] =	vst v63  }
0x1e0: {  	_ = 	snop  }
0x1e1: {  	[tilespmem:s8], [sflag:$0x2] =	stream.indirect_vreg.gather [hbm4b:s1+s3], $0x80, v3, vm0, $0xb8;
	[tilespmem:$0x10400] =	vst v63  }
0x1e2: {  	v3 =	vld [tilespmem:$0x2A0];
	_ =	sdelay $0x4  }
0x1e3: {  	v58 =	vshll.u32 v3, $0x1  }
0x1e4: {  	v3 =	vand.u32 $0x7, v3;
	v4 =	vand.u32 $0xFFFFFFF0, v58  }
0x1e5: {  	v3 =	vor.u32 v3, v4  }
0x1e6: {  	v4 =	vperm.xlane v3, v0;
	_ =	sdelay $0x1  }
0x1e7: {  	v3 =	vperm.xlane v3, v2;
	v4 =	vadd.s32 v1, v4;
	_ =	sdelay $0x1  }
0x1e8: {  	v3 =	vadd.s32 v1, v3;
	_ =	sdelay $0x2  }
0x1e9: {  	[tilespmem:s9], [sflag:$0x2] =	stream.indirect_vreg.gather [hbm4b:s1+s3], $0x80, v4, vm0, $0xb8;
	[tilespmem:$0x10400] =	vst v63  }
0x1ea: {  	_ = 	snop  }
0x1eb: {  	[tilespmem:s10], [sflag:$0x2] =	stream.indirect_vreg.gather [hbm4b:s1+s3], $0x80, v3, vm0, $0xb8;
	[tilespmem:$0x10400] =	vst v63  }
0x1ec: {  	v3 =	vld [tilespmem:$0x2B0];
	_ =	sdelay $0x4  }
0x1ed: {  	v59 =	vshll.u32 v3, $0x1  }
0x1ee: {  	v3 =	vand.u32 $0x7, v3;
	v4 =	vand.u32 $0xFFFFFFF0, v59  }
0x1ef: {  	v3 =	vor.u32 v3, v4  }
0x1f0: {  	v4 =	vperm.xlane v3, v0;
	_ =	sdelay $0x1  }
0x1f1: {  	v3 =	vperm.xlane v3, v2;
	v4 =	vadd.s32 v1, v4;
	_ =	sdelay $0x1  }
0x1f2: {  	v3 =	vadd.s32 v1, v3;
	_ =	sdelay $0x2  }
0x1f3: {  	[tilespmem:s11], [sflag:$0x2] =	stream.indirect_vreg.gather [hbm4b:s1+s3], $0x80, v4, vm0, $0xb8;
	[tilespmem:$0x10400] =	vst v63  }
0x1f4: {  	_ = 	snop  }
0x1f5: {  	[tilespmem:s12], [sflag:$0x2] =	stream.indirect_vreg.gather [hbm4b:s1+s3], $0x80, v3, vm0, $0xb8;
	[tilespmem:$0x10400] =	vst v63  }
0x1f6: {  	v3 =	vld [tilespmem:$0x2C0];
	_ =	sdelay $0x4  }
0x1f7: {  	v60 =	vshll.u32 v3, $0x1  }
0x1f8: {  	v3 =	vand.u32 $0x7, v3;
	v4 =	vand.u32 $0xFFFFFFF0, v60  }
0x1f9: {  	v3 =	vor.u32 v3, v4  }
0x1fa: {  	v4 =	vperm.xlane v3, v0;
	_ =	sdelay $0x1  }
0x1fb: {  	v3 =	vperm.xlane v3, v2;
	v4 =	vadd.s32 v1, v4;
	_ =	sdelay $0x1  }
0x1fc: {  	v3 =	vadd.s32 v1, v3;
	_ =	sdelay $0x2  }
0x1fd: {  	[tilespmem:s7], [sflag:$0x2] =	stream.indirect_vreg.gather [hbm4b:s1+s3], $0x80, v4, vm0, $0xb8;
	[tilespmem:$0x10400] =	vst v63  }
0x1fe: {  	s15 =	simm.s32 $0xCC00  }
0x1ff: {  	[tilespmem:s15], [sflag:$0x2] =	stream.indirect_vreg.gather [hbm4b:s1+s3], $0x80, v3, vm0, $0xb8;
	[tilespmem:$0x10400] =	vst v63  }
0x200: {  	v3 =	vld [tilespmem:$0x2D0];
	_ =	sdelay $0x4  }
0x201: {  	v61 =	vshll.u32 v3, $0x1  }
0x202: {  	v3 =	vand.u32 $0x7, v3;
	v4 =	vand.u32 $0xFFFFFFF0, v61  }
0x203: {  	v3 =	vor.u32 v3, v4  }
0x204: {  	v4 =	vperm.xlane v3, v0;
	_ =	sdelay $0x1  }
0x205: {  	v3 =	vperm.xlane v3, v2;
	v4 =	vadd.s32 v1, v4;
	_ =	sdelay $0x1  }
0x206: {  	v3 =	vadd.s32 v1, v3;
	_ =	sdelay $0x1  }
0x207: {  	s4 =	simm.s32 $0xD400  }
0x208: {  	[tilespmem:s4], [sflag:$0x2] =	stream.indirect_vreg.gather [hbm4b:s1+s3], $0x80, v4, vm0, $0xb8;
	[tilespmem:$0x10400] =	vst v63  }
0x209: {  	s15 =	simm.s32 $0xDC00  }
0x20a: {  	[tilespmem:s15], [sflag:$0x2] =	stream.indirect_vreg.gather [hbm4b:s1+s3], $0x80, v3, vm0, $0xb8;
	[tilespmem:$0x10400] =	vst v63  }
0x20b: {  	v3 =	vld [tilespmem:$0x2E0];
	_ =	sdelay $0x4  }
0x20c: {  	v62 =	vshll.u32 v3, $0x1  }
0x20d: {  	v3 =	vand.u32 $0x7, v3;
	v4 =	vand.u32 $0xFFFFFFF0, v62  }
0x20e: {  	v3 =	vor.u32 v3, v4  }
0x20f: {  	v4 =	vperm.xlane v3, v0;
	_ =	sdelay $0x1  }
0x210: {  	v3 =	vperm.xlane v3, v2;
	v4 =	vadd.s32 v1, v4;
	_ =	sdelay $0x1  }
0x211: {  	v3 =	vadd.s32 v1, v3;
	_ =	sdelay $0x1  }
0x212: {  	s4 =	simm.s32 $0xE400  }
0x213: {  	[tilespmem:s4], [sflag:$0x2] =	stream.indirect_vreg.gather [hbm4b:s1+s3], $0x80, v4, vm0, $0xb8;
	[tilespmem:$0x10400] =	vst v63  }
0x214: {  	s15 =	simm.s32 $0xEC00  }
0x215: {  	[tilespmem:s15], [sflag:$0x2] =	stream.indirect_vreg.gather [hbm4b:s1+s3], $0x80, v3, vm0, $0xb8;
	[tilespmem:$0x10400] =	vst v63  }
0x216: {  	v3 =	vld [tilespmem:$0x2F0];
	_ =	sdelay $0x4  }
0x217: {  	v63 =	vshll.u32 v3, $0x1  }
0x218: {  	v3 =	vand.u32 $0x7, v3;
	v4 =	vand.u32 $0xFFFFFFF0, v63  }
0x219: {  	v3 =	vor.u32 v3, v4  }
0x21a: {  	v4 =	vperm.xlane v3, v0;
	_ =	sdelay $0x1  }
0x21b: {  	v3 =	vperm.xlane v3, v2;
	v4 =	vadd.s32 v1, v4;
	_ =	sdelay $0x1  }
0x21c: {  	v3 =	vadd.s32 v1, v3;
	_ =	sdelay $0x1  }
0x21d: {  	s4 =	simm.s32 $0xF400  }
0x21e: {  	[tilespmem:s4], [sflag:$0x2] =	stream.indirect_vreg.gather [hbm4b:s1+s3], $0x80, v4, vm0, $0xb8;
	[tilespmem:$0x10400] =	vst v63  }
0x21f: {  	s15 =	simm.s32 $0xFC00  }
0x220: {  	[tilespmem:s15], [sflag:$0x2] =	stream.indirect_vreg.gather [hbm4b:s1+s3], $0x80, v3, vm0, $0xb8;
	[tilespmem:$0x10400] =	vst v63  }
0x221: {  	_ =	swait.ge [sflag:s13], $0x8000  }
0x222: {  	[sflag:s13] =	ssyncset.done $0x0  }
0x223: {  	s2 =	rddreg [dreg:$0x8];
	[sflag:s13] =	ssyncadd.s32 $0xFFFF8000  }
0x224: {  	[hbm4b:s2+s3] =	stream.linear.scatter [tilespmem:s23], [sflag:$0x3], $0x8000, $0x38;
	[tilespmem:$0x10400] =	vst v63  }
0x225: {  	_ =	swait.ge [sflag:s6], $0x8000  }
0x226: {  	[sflag:s6] =	ssyncset.done $0x0  }
0x227: {  	[sflag:s6] =	ssyncadd.s32 $0xFFFF8000  }
0x228: {  	_ =	swait.ge [sflag:s14], $0x8000  }
0x229: {  	p0 =	sne.s32 s5, $0x1;
	[sflag:s14] =	ssyncset.done $0x0  }
.Ltmp0:
0x22a: {  	s4 =	rddreg [dreg:$0x9];
	[sflag:s14] =	ssyncadd.s32 $0xFFFF8000;
	(pc) =	sbr.rel @p0 .LBB2_1-.Ltmp0, $4  }
0x22b: {  	[hbm4b:s4+s3] =	stream.linear.scatter [tilespmem:s0], [sflag:$0x3], $0x8000, $0x38;
	[tilespmem:$0x10400] =	vst v63  }
0x22c: {  	_ =	swait.ge [sflag:s6], $0x8000  }
0x22d: {  	[sflag:s6] =	ssyncset.done $0x0  }
0x22e: {  	s5 =	sadd.s32 $0xFFFFFFFF, s5;
	[sflag:s6] =	ssyncadd.s32 $0xFFFF8000  }
0x22f: {  	_ =	sfence.sel $0x180000  }
0x230: {  	[bflag:$0x0] =	sbarrier.arrive $0xFFFF  }
0x231: {  	_ =	strace $0x90000047  }
0x232: {  	s0 =	stileid.u32;
	[bflag:$0x2] =	sbarrier.arrive $0xFFFF  }
0x233: {  	p0 =	sne.s32 s0, $0x0;
	s0 =	rddreg [dreg:$0x3]  }
0x234: {  	s0 =	sadd.s32 @!p0 $0x100000, s0  }
0x235: {  	[sflag:s0] =	ssyncadd.tile.s32 @!p0 $0x1;
	_ =	shalt  }
.Lfunc_end2:
_tile_overlayer_lowered:
.L_overlay_start_2:
0x236: {  	(tag) =	ssettag $0x2  }
0x237: {  	s0 =	rddreg [dreg:$0x0];
	s2 =	stileid.u32  }
0x238: {  	s1 =	rddreg [dreg:$0x1];
	p0 =	sne.s32 s2, $0x0  }
0x239: {  	s3 =	rddreg [dreg:$0x2];
	[bflag:$0x3] =	sbarrier.arrive $0xFFFF;
	s2 =	simm.s32 @!p0 $0x1C03  }
0x23a: {  	[timem:s3], [sflag:s2] =	dma.local @!p0 [hbm:s0], s1  }
0x23b: {  	s0 =	simm.s32 @!p0 $0x3  }
0x23c: {  	_ =	swait.ge @!p0 [sflag:s0], s1  }
0x23d: {  	s1 =	ssub.s32 @!p0 $0x0, s1;
	[sflag:s0] =	ssyncset.done @!p0 $0x0  }
0x23e: {  	[sflag:s0] =	ssyncadd.s32 @!p0 s1  }
0x23f: {  	[bflag:$0x3] =	sbarrier.arrive $0xFFFF  }
0x240: {  	_ =	shalt  }

</sc_bundles>
